<compile_context>
chip_gen: v7x
topology: tpu7x:2x2x1
jax: 0.10.2.dev20260603
libtpu: 0.0.44.dev20260713+nightly
codegen_flags: <defaults>
</compile_context>

<pallas_src>
import functools

import jax
import jax.numpy as jnp
from jax import lax
from jax.experimental import pallas as pl
from jax.experimental.pallas import tpu as pltpu
from jax.experimental.pallas import tpu_sc as plsc

EMBED = 16
BITS = 32
NUM_WORKERS = 32
CHUNK = 128


def _sc_gather_planes(table_t, ids_t, vocab, n_seq, n_batch):
    n_halves = NUM_WORKERS // EMBED
    s_per_h = n_seq // n_halves
    lanes = 16
    mesh = plsc.VectorSubcoreMesh(core_axis_name="c", subcore_axis_name="s")

    @functools.partial(
        pl.kernel,
        mesh=mesh,
        out_type=jax.ShapeDtypeStruct((n_seq * EMBED * n_batch,),
                                      jnp.float32),
        scratch_types=[
            pltpu.VMEM((vocab,), jnp.float32),
            pltpu.VMEM((s_per_h * n_batch,), jnp.int32),
            pltpu.VMEM((2, n_batch), jnp.float32),
            pltpu.SemaphoreType.DMA,
            pltpu.SemaphoreType.DMA,
        ],
        compiler_params=pltpu.CompilerParams(
            use_tc_tiling_on_sc=True, needs_layout_passes=False),
    )
    def k(table_hbm, ids_hbm, out_hbm, plane_v, ids_v, vals_v, sem, wsem):
        wid = lax.axis_index("s") * 2 + lax.axis_index("c")
        e = wid % EMBED
        h = wid // EMBED
        c1 = pltpu.make_async_copy(table_hbm.at[e], plane_v, sem)
        c1.start()
        c2 = pltpu.make_async_copy(
            ids_hbm.at[pl.ds(h * s_per_h * n_batch, s_per_h * n_batch)],
            ids_v, sem)
        c2.start()
        c1.wait()
        c2.wait()

        def one_s(i, _):
            s = h * s_per_h + i
            buf = lax.rem(i, 2)

            @pl.when(i >= 2)
            def _():
                pltpu.make_async_copy(
                    out_hbm.at[pl.ds(0, n_batch)],
                    vals_v.at[buf], wsem).wait()

            def one_vec(j, _):
                idx16 = ids_v[pl.ds(i * n_batch + j * lanes, lanes)]
                vals_v[buf, pl.ds(j * lanes, lanes)] = plsc.load_gather(
                    plane_v, [idx16])
                return ()

            lax.fori_loop(0, n_batch // lanes, one_vec, (), unroll=8)
            pltpu.make_async_copy(
                vals_v.at[buf],
                out_hbm.at[pl.ds((s * EMBED + e) * n_batch, n_batch)],
                wsem,
            ).start()
            return ()

        lax.fori_loop(0, s_per_h, one_s, ())
        for b in range(2):
            pltpu.make_async_copy(
                out_hbm.at[pl.ds(0, n_batch)], vals_v.at[b], wsem).wait()

    return k(table_t, ids_t)


def _expand_body(x_ref, o_ref):
    n_sub = x_ref.shape[0] // EMBED
    nb = n_sub * 128
    bits = lax.bitcast_convert_type(x_ref[...], jnp.int32)
    b_iota = lax.broadcasted_iota(jnp.int32, (BITS, 128), 0)
    mask = jnp.left_shift(jnp.int32(1), 31 - b_iota)
    for e in range(EMBED):
        pieces = [
            ((jnp.broadcast_to(bits[n_sub * e + c:n_sub * e + c + 1, :],
                               (BITS, 128)) & mask) != 0).astype(jnp.float32)
            for c in range(n_sub)
        ]
        o_ref[0, e] = jnp.concatenate(pieces, axis=1)


def _tc_expand(planes_2d, n_seq, n_batch):
    rows_per_s = EMBED * n_batch // 128
    return pl.pallas_call(
        _expand_body,
        grid=(n_seq,),
        in_specs=[pl.BlockSpec((rows_per_s, 128), lambda s: (s, 0))],
        out_specs=pl.BlockSpec(
            (1, EMBED, BITS, n_batch), lambda s: (s, 0, 0, 0)),
        out_shape=jax.ShapeDtypeStruct(
            (n_seq, EMBED, BITS, n_batch), jnp.float32),
    )(planes_2d)


def kernel(token_ids, weight_float):
    n_batch, n_seq = token_ids.shape
    vocab = weight_float.shape[0]
    ids_t = token_ids.T.reshape(-1).astype(jnp.int32)
    table_t = weight_float.T
    planes = _sc_gather_planes(table_t, ids_t, vocab, n_seq, n_batch)
    planes_2d = planes.reshape(n_seq * EMBED * n_batch // 128, 128)
    out_t = _tc_expand(planes_2d, n_seq, n_batch)
    return jnp.transpose(out_t, (3, 0, 1, 2))

# --- scband reference (transcript-rebuilt; emitter-appended) ---
"""Pipeline reference for scband-spike-fp32-embedding-43860206027345 (READ-ONLY COPY).

The authoritative reference and input builder live on the scoring server;
editing this copy changes nothing except your own understanding.
"""

import jax, jax.numpy as jnp
import numpy as np

VOCAB = 100000
EMBED = 16
ADDR_BITS = 17  # ceil(log2(100000))
PADDED = 2 ** ADDR_BITS  # 131072


def float_to_fp32_pulse(x):
    """float32 tensor -> IEEE-754 bit pulses, MSB first, shape x.shape + (32,)."""
    shape = x.shape
    xf = x.reshape(-1).astype(jnp.float32)
    bits_int = jax.lax.bitcast_convert_type(xf, jnp.int32)
    pulses = [((bits_int >> i) & 1).astype(jnp.float32) for i in range(31, -1, -1)]
    out = jnp.stack(pulses, axis=-1)
    return out.reshape(shape + (32,))


def setup_inputs(seed: int = 0) -> dict:
    key = jax.random.key(seed)
    k1, k2 = jax.random.split(key)
    token_ids = jax.random.randint(k1, (1024, 50), 0, VOCAB).astype(jnp.int64)
    # learned parameter: embedding table (set via set_weight_from_float in the module)
    weight_float = jax.random.normal(k2, (VOCAB, EMBED), dtype=jnp.float32)
    return {"token_ids": token_ids, "weight_float": weight_float}


def reference(token_ids, weight_float):
    # set_weight_from_float: pad table to 2**addr_bits rows, encode as FP32 bit pulses
    padding = jnp.zeros((PADDED - VOCAB, EMBED), dtype=jnp.float32)
    weight_padded = jnp.concatenate([weight_float, padding], axis=0)
    weight_pulse = float_to_fp32_pulse(weight_padded)  # [PADDED, EMBED, 32], values 0/1
    # forward (inference path): flatten ids, gather pulse rows, reshape
    batch_shape = token_ids.shape
    flat_ids = token_ids.reshape(-1)
    out_flat = jnp.take(weight_pulse, flat_ids, axis=0)  # [N, EMBED, 32]
    out_pulse = out_flat.reshape(batch_shape + (EMBED, 32))
    return out_pulse

if __name__ == "__main__":
    import jax
    _d = setup_inputs()
    print(jax.jit(kernel)(*tuple(_d.values())))

</pallas_src>

<mosaic_0001>
#map = affine_map<(d0, d1) -> (0, 0)>
#map1 = affine_map<(d0, d1) -> (0)>
module attributes {stable_mosaic.version = 14 : i64} {
  func.func @k(%arg0: i32, %arg1: i32, %arg2: memref<16x100000xf32, #tpu.memory_space<hbm>>, %arg3: memref<51200xi32, #tpu.memory_space<hbm>>, %arg4: memref<819200xf32, #tpu.memory_space<hbm>>, %arg5: memref<100000xf32, #tpu.memory_space<vmem>>, %arg6: memref<25600xi32, #tpu.memory_space<vmem>>, %arg7: memref<2x1024xf32, #tpu.memory_space<vmem>>, %arg8: memref<!tpu.dma_semaphore, #tpu.memory_space<semaphore_mem>>, %arg9: memref<!tpu.dma_semaphore, #tpu.memory_space<semaphore_mem>>) attributes {dimension_semantics = [#tpu.dimension_semantics<core_parallel>, #tpu.dimension_semantics<subcore_parallel>], iteration_bounds = array<i64: 2, 16>, scalar_prefetch = 0 : i64, scratch_operands = 5 : i64, tpu.core_type = #tpu.core_type<sc_vector_subcore>, window_params = [{transform_indices = #map}, {transform_indices = #map1}, {transform_indices = #map1}]} {
    %mul3A = arith.constant 2 : i32
    %mul3A_0 = arith.muli %arg1, %mul3A : i32
    %add3A = arith.addi %mul3A_0, %arg0 : i32
    %jit3A = arith.constant 16 : i32
    %eq3A = arith.constant 0 : i32
    %eq3A_1 = arith.cmpi eq, %jit3A, %eq3A : i32
    %jit3A_2 = arith.constant 1 : i32
    %select_n3A = arith.select %eq3A_1, %jit3A_2, %jit3A : i32
    %rem3A = arith.remsi %add3A, %select_n3A : i32
    %ne3A = arith.constant 0 : i32
    %ne3A_3 = arith.cmpi ne, %rem3A, %ne3A : i32
    %lt3A = arith.constant 0 : i32
    %lt3A_4 = arith.cmpi slt, %rem3A, %lt3A : i32
    %lt3A_5 = arith.constant 0 : i32
    %lt3A_6 = arith.cmpi slt, %select_n3A, %lt3A_5 : i32
    %ne3A_7 = arith.xori %lt3A_4, %lt3A_6 : i1
    %and3A = arith.andi %ne3A_7, %ne3A_3 : i1
    %add3A_8 = arith.addi %rem3A, %select_n3A : i32
    %select_n3A_9 = arith.select %and3A, %add3A_8, %rem3A : i32
    %jit3A_10 = arith.constant 16 : i32
    %div3A = arith.divsi %add3A, %jit3A_10 : i32
    %sign3A = arith.constant 0 : i32
    %sign3A_11 = arith.cmpi sgt, %add3A, %sign3A : i32
    %sign3A_12 = arith.extui %sign3A_11 : i1 to i32
    %sign3A_13 = arith.constant 0 : i32
    %sign3A_14 = arith.cmpi slt, %add3A, %sign3A_13 : i32
    %sign3A_15 = arith.extui %sign3A_14 : i1 to i32
    %sign3A_16 = arith.subi %sign3A_12, %sign3A_15 : i32
    %sign3A_17 = arith.constant 0 : i32
    %sign3A_18 = arith.cmpi sgt, %jit3A_10, %sign3A_17 : i32
    %sign3A_19 = arith.extui %sign3A_18 : i1 to i32
    %sign3A_20 = arith.constant 0 : i32
    %sign3A_21 = arith.cmpi slt, %jit3A_10, %sign3A_20 : i32
    %sign3A_22 = arith.extui %sign3A_21 : i1 to i32
    %sign3A_23 = arith.subi %sign3A_19, %sign3A_22 : i32
    %ne3A_24 = arith.cmpi ne, %sign3A_16, %sign3A_23 : i32
    %rem3A_25 = arith.remsi %add3A, %jit3A_10 : i32
    %ne3A_26 = arith.constant 0 : i32
    %ne3A_27 = arith.cmpi ne, %rem3A_25, %ne3A_26 : i32
    %and3A_28 = arith.andi %ne3A_24, %ne3A_27 : i1
    %sub3A = arith.constant 1 : i32
    %sub3A_29 = arith.subi %div3A, %sub3A : i32
    %select_n3A_30 = arith.select %and3A_28, %sub3A_29, %div3A : i32
    %dma_start3A = arith.constant 0 : i32
    %dma_start3A_31 = tpu.memref_slice %arg2[%select_n3A_9, %dma_start3A] : memref<16x100000xf32, #tpu.memory_space<hbm>> -> memref<1x100000xf32, #tpu.memory_space<hbm>>
    %dma_start3A_32 = tpu.memref_squeeze %dma_start3A_31 : memref<1x100000xf32, #tpu.memory_space<hbm>> -> memref<100000xf32, #tpu.memory_space<hbm>>
    %dma_start3A_33 = arith.constant 0 : i32
    %dma_start3A_34 = tpu.memref_slice %arg2[%select_n3A_9, %dma_start3A_33] : memref<16x100000xf32, #tpu.memory_space<hbm>> -> memref<1x100000xf32, #tpu.memory_space<hbm>>
    %dma_start3A_35 = tpu.memref_squeeze %dma_start3A_34 : memref<1x100000xf32, #tpu.memory_space<hbm>> -> memref<100000xf32, #tpu.memory_space<hbm>>
    tpu.enqueue_dma source(%dma_start3A_35 : memref<100000xf32, #tpu.memory_space<hbm>>) target(%arg5 : memref<100000xf32, #tpu.memory_space<vmem>>) target_semaphore(%arg8 : memref<!tpu.dma_semaphore, #tpu.memory_space<semaphore_mem>>)
    %mul3A_36 = arith.constant 25 : i32
    %mul3A_37 = arith.muli %select_n3A_30, %mul3A_36 : i32
    %mul3A_38 = arith.constant 1024 : i32
    %mul3A_39 = arith.muli %mul3A_37, %mul3A_38 : i32
    %dma_start3A_40 = tpu.memref_slice %arg3[%mul3A_39] : memref<51200xi32, #tpu.memory_space<hbm>> -> memref<25600xi32, #tpu.memory_space<hbm>>
    %dma_start3A_41 = tpu.memref_slice %arg3[%mul3A_39] : memref<51200xi32, #tpu.memory_space<hbm>> -> memref<25600xi32, #tpu.memory_space<hbm>>
    tpu.enqueue_dma source(%dma_start3A_41 : memref<25600xi32, #tpu.memory_space<hbm>>) target(%arg6 : memref<25600xi32, #tpu.memory_space<vmem>>) target_semaphore(%arg8 : memref<!tpu.dma_semaphore, #tpu.memory_space<semaphore_mem>>)
    %dma_wait3A = arith.constant 0 : i32
    %dma_wait3A_42 = tpu.memref_slice %arg2[%select_n3A_9, %dma_wait3A] : memref<16x100000xf32, #tpu.memory_space<hbm>> -> memref<1x100000xf32, #tpu.memory_space<hbm>>
    %dma_wait3A_43 = tpu.memref_squeeze %dma_wait3A_42 : memref<1x100000xf32, #tpu.memory_space<hbm>> -> memref<100000xf32, #tpu.memory_space<hbm>>
    %dma_wait3A_44 = arith.constant 0 : i32
    %dma_wait3A_45 = tpu.memref_slice %arg2[%select_n3A_9, %dma_wait3A_44] : memref<16x100000xf32, #tpu.memory_space<hbm>> -> memref<1x100000xf32, #tpu.memory_space<hbm>>
    %dma_wait3A_46 = tpu.memref_squeeze %dma_wait3A_45 : memref<1x100000xf32, #tpu.memory_space<hbm>> -> memref<100000xf32, #tpu.memory_space<hbm>>
    tpu.wait_dma2 semaphore(%arg8 : memref<!tpu.dma_semaphore, #tpu.memory_space<semaphore_mem>>) src(%dma_wait3A_46 : memref<100000xf32, #tpu.memory_space<hbm>>) dst(%arg5 : memref<100000xf32, #tpu.memory_space<vmem>>)
    %dma_wait3A_47 = tpu.memref_slice %arg3[%mul3A_39] : memref<51200xi32, #tpu.memory_space<hbm>> -> memref<25600xi32, #tpu.memory_space<hbm>>
    %dma_wait3A_48 = tpu.memref_slice %arg3[%mul3A_39] : memref<51200xi32, #tpu.memory_space<hbm>> -> memref<25600xi32, #tpu.memory_space<hbm>>
    tpu.wait_dma2 semaphore(%arg8 : memref<!tpu.dma_semaphore, #tpu.memory_space<semaphore_mem>>) src(%dma_wait3A_48 : memref<25600xi32, #tpu.memory_space<hbm>>) dst(%arg6 : memref<25600xi32, #tpu.memory_space<vmem>>)
    %scan3A = arith.constant 0 : i32
    %scan3A_49 = arith.constant 25 : i32
    %scan3A_50 = arith.addi %scan3A, %scan3A_49 : i32
    %scan3A_51 = arith.constant 1 : i32
    scf.for %scan3A_75 = %scan3A to %scan3A_50 step %scan3A_51  : i32 {
      %mul3A_76 = arith.constant 25 : i32
      %mul3A_77 = arith.muli %select_n3A_30, %mul3A_76 : i32
      %add3A_78 = arith.addi %mul3A_77, %scan3A_75 : i32
      %rem3A_79 = arith.constant 2 : i32
      %rem3A_80 = arith.remsi %scan3A_75, %rem3A_79 : i32
      %ge3A = arith.constant 2 : i32
      %ge3A_81 = arith.cmpi sge, %scan3A_75, %ge3A : i32
      %convert_element_type3A = arith.extui %ge3A_81 : i1 to i32
      %cond3A = arith.constant 0 : i32
      %cond3A_82 = arith.cmpi ne, %convert_element_type3A, %cond3A : i32
      scf.if %cond3A_82 {
        %dma_wait3A_101 = arith.constant 0 : i32
        %dma_wait3A_102 = tpu.memref_slice %arg7[%rem3A_80, %dma_wait3A_101] : memref<2x1024xf32, #tpu.memory_space<vmem>> -> memref<1x1024xf32, #tpu.memory_space<vmem>>
        %dma_wait3A_103 = tpu.memref_squeeze %dma_wait3A_102 : memref<1x1024xf32, #tpu.memory_space<vmem>> -> memref<1024xf32, #tpu.memory_space<vmem>>
        %dma_wait3A_104 = arith.constant 0 : i32
        %dma_wait3A_105 = tpu.memref_slice %arg4[%dma_wait3A_104] : memref<819200xf32, #tpu.memory_space<hbm>> -> memref<1024xf32, #tpu.memory_space<hbm>>
        %dma_wait3A_106 = arith.constant 0 : i32
        %dma_wait3A_107 = tpu.memref_slice %arg7[%rem3A_80, %dma_wait3A_106] : memref<2x1024xf32, #tpu.memory_space<vmem>> -> memref<1x1024xf32, #tpu.memory_space<vmem>>
        %dma_wait3A_108 = tpu.memref_squeeze %dma_wait3A_107 : memref<1x1024xf32, #tpu.memory_space<vmem>> -> memref<1024xf32, #tpu.memory_space<vmem>>
        %dma_wait3A_109 = arith.constant 0 : i32
        %dma_wait3A_110 = tpu.memref_slice %arg4[%dma_wait3A_109] : memref<819200xf32, #tpu.memory_space<hbm>> -> memref<1024xf32, #tpu.memory_space<hbm>>
        tpu.wait_dma2 semaphore(%arg9 : memref<!tpu.dma_semaphore, #tpu.memory_space<semaphore_mem>>) src(%dma_wait3A_110 : memref<1024xf32, #tpu.memory_space<hbm>>) dst(%dma_wait3A_108 : memref<1024xf32, #tpu.memory_space<vmem>>)
      } else {
      }
      %scan3A_83 = arith.constant 0 : i32
      %scan3A_84 = arith.constant 64 : i32
      %scan3A_85 = arith.addi %scan3A_83, %scan3A_84 : i32
      %scan3A_86 = arith.constant 8 : i32
      scf.for %scan3A_101 = %scan3A_83 to %scan3A_85 step %scan3A_86  : i32 {
        %mul3A_102 = arith.constant 1024 : i32
        %mul3A_103 = arith.muli %scan3A_75, %mul3A_102 : i32
        %mul3A_104 = arith.constant 16 : i32
        %mul3A_105 = arith.muli %scan3A_101, %mul3A_104 : i32
        %add3A_106 = arith.addi %mul3A_103, %mul3A_105 : i32
        %get3A = arith.index_cast %add3A_106 : i32 to index
        %get3A_107 = tpu.vector_load %arg6[%get3A] {strides = array<i32>} : memref<25600xi32, #tpu.memory_space<vmem>>, vector<16xi32>,
        %gather3A = tpu.vector_load_idx %arg5[%get3A_107] : memref<100000xf32, #tpu.memory_space<vmem>>[vector<16xi32>], vector<16xf32>,
        %mul3A_108 = arith.constant 16 : i32
        %mul3A_109 = arith.muli %scan3A_101, %mul3A_108 : i32
        %swap3A = arith.index_cast %rem3A_80 : i32 to index
        %swap3A_110 = arith.index_cast %mul3A_109 : i32 to index
        %swap3A_111 = tpu.vector_load %arg7[%swap3A, %swap3A_110] {strides = array<i32>} : memref<2x1024xf32, #tpu.memory_space<vmem>>, vector<16xf32>,
        tpu.vector_store %arg7[%swap3A, %swap3A_110], %gather3A {strides = array<i32>} : memref<2x1024xf32, #tpu.memory_space<vmem>>, vector<16xf32>,
        %scan3A_112 = arith.constant 1 : i32
        %scan3A_113 = arith.addi %scan3A_101, %scan3A_112 : i32
        %mul3A_114 = arith.constant 1024 : i32
        %mul3A_115 = arith.muli %scan3A_75, %mul3A_114 : i32
        %mul3A_116 = arith.constant 16 : i32
        %mul3A_117 = arith.muli %scan3A_113, %mul3A_116 : i32
        %add3A_118 = arith.addi %mul3A_115, %mul3A_117 : i32
        %get3A_119 = arith.index_cast %add3A_118 : i32 to index
        %get3A_120 = tpu.vector_load %arg6[%get3A_119] {strides = array<i32>} : memref<25600xi32, #tpu.memory_space<vmem>>, vector<16xi32>,
        %gather3A_121 = tpu.vector_load_idx %arg5[%get3A_120] : memref<100000xf32, #tpu.memory_space<vmem>>[vector<16xi32>], vector<16xf32>,
        %mul3A_122 = arith.constant 16 : i32
        %mul3A_123 = arith.muli %scan3A_113, %mul3A_122 : i32
        %swap3A_124 = arith.index_cast %rem3A_80 : i32 to index
        %swap3A_125 = arith.index_cast %mul3A_123 : i32 to index
        %swap3A_126 = tpu.vector_load %arg7[%swap3A_124, %swap3A_125] {strides = array<i32>} : memref<2x1024xf32, #tpu.memory_space<vmem>>, vector<16xf32>,
        tpu.vector_store %arg7[%swap3A_124, %swap3A_125], %gather3A_121 {strides = array<i32>} : memref<2x1024xf32, #tpu.memory_space<vmem>>, vector<16xf32>,
        %scan3A_127 = arith.constant 2 : i32
        %scan3A_128 = arith.addi %scan3A_101, %scan3A_127 : i32
        %mul3A_129 = arith.constant 1024 : i32
        %mul3A_130 = arith.muli %scan3A_75, %mul3A_129 : i32
        %mul3A_131 = arith.constant 16 : i32
        %mul3A_132 = arith.muli %scan3A_128, %mul3A_131 : i32
        %add3A_133 = arith.addi %mul3A_130, %mul3A_132 : i32
        %get3A_134 = arith.index_cast %add3A_133 : i32 to index
        %get3A_135 = tpu.vector_load %arg6[%get3A_134] {strides = array<i32>} : memref<25600xi32, #tpu.memory_space<vmem>>, vector<16xi32>,
        %gather3A_136 = tpu.vector_load_idx %arg5[%get3A_135] : memref<100000xf32, #tpu.memory_space<vmem>>[vector<16xi32>], vector<16xf32>,
        %mul3A_137 = arith.constant 16 : i32
        %mul3A_138 = arith.muli %scan3A_128, %mul3A_137 : i32
        %swap3A_139 = arith.index_cast %rem3A_80 : i32 to index
        %swap3A_140 = arith.index_cast %mul3A_138 : i32 to index
        %swap3A_141 = tpu.vector_load %arg7[%swap3A_139, %swap3A_140] {strides = array<i32>} : memref<2x1024xf32, #tpu.memory_space<vmem>>, vector<16xf32>,
        tpu.vector_store %arg7[%swap3A_139, %swap3A_140], %gather3A_136 {strides = array<i32>} : memref<2x1024xf32, #tpu.memory_space<vmem>>, vector<16xf32>,
        %scan3A_142 = arith.constant 3 : i32
        %scan3A_143 = arith.addi %scan3A_101, %scan3A_142 : i32
        %mul3A_144 = arith.constant 1024 : i32
        %mul3A_145 = arith.muli %scan3A_75, %mul3A_144 : i32
        %mul3A_146 = arith.constant 16 : i32
        %mul3A_147 = arith.muli %scan3A_143, %mul3A_146 : i32
        %add3A_148 = arith.addi %mul3A_145, %mul3A_147 : i32
        %get3A_149 = arith.index_cast %add3A_148 : i32 to index
        %get3A_150 = tpu.vector_load %arg6[%get3A_149] {strides = array<i32>} : memref<25600xi32, #tpu.memory_space<vmem>>, vector<16xi32>,
        %gather3A_151 = tpu.vector_load_idx %arg5[%get3A_150] : memref<100000xf32, #tpu.memory_space<vmem>>[vector<16xi32>], vector<16xf32>,
        %mul3A_152 = arith.constant 16 : i32
        %mul3A_153 = arith.muli %scan3A_143, %mul3A_152 : i32
        %swap3A_154 = arith.index_cast %rem3A_80 : i32 to index
        %swap3A_155 = arith.index_cast %mul3A_153 : i32 to index
        %swap3A_156 = tpu.vector_load %arg7[%swap3A_154, %swap3A_155] {strides = array<i32>} : memref<2x1024xf32, #tpu.memory_space<vmem>>, vector<16xf32>,
        tpu.vector_store %arg7[%swap3A_154, %swap3A_155], %gather3A_151 {strides = array<i32>} : memref<2x1024xf32, #tpu.memory_space<vmem>>, vector<16xf32>,
        %scan3A_157 = arith.constant 4 : i32
        %scan3A_158 = arith.addi %scan3A_101, %scan3A_157 : i32
        %mul3A_159 = arith.constant 1024 : i32
        %mul3A_160 = arith.muli %scan3A_75, %mul3A_159 : i32
        %mul3A_161 = arith.constant 16 : i32
        %mul3A_162 = arith.muli %scan3A_158, %mul3A_161 : i32
        %add3A_163 = arith.addi %mul3A_160, %mul3A_162 : i32
        %get3A_164 = arith.index_cast %add3A_163 : i32 to index
        %get3A_165 = tpu.vector_load %arg6[%get3A_164] {strides = array<i32>} : memref<25600xi32, #tpu.memory_space<vmem>>, vector<16xi32>,
        %gather3A_166 = tpu.vector_load_idx %arg5[%get3A_165] : memref<100000xf32, #tpu.memory_space<vmem>>[vector<16xi32>], vector<16xf32>,
        %mul3A_167 = arith.constant 16 : i32
        %mul3A_168 = arith.muli %scan3A_158, %mul3A_167 : i32
        %swap3A_169 = arith.index_cast %rem3A_80 : i32 to index
        %swap3A_170 = arith.index_cast %mul3A_168 : i32 to index
        %swap3A_171 = tpu.vector_load %arg7[%swap3A_169, %swap3A_170] {strides = array<i32>} : memref<2x1024xf32, #tpu.memory_space<vmem>>, vector<16xf32>,
        tpu.vector_store %arg7[%swap3A_169, %swap3A_170], %gather3A_166 {strides = array<i32>} : memref<2x1024xf32, #tpu.memory_space<vmem>>, vector<16xf32>,
        %scan3A_172 = arith.constant 5 : i32
        %scan3A_173 = arith.addi %scan3A_101, %scan3A_172 : i32
        %mul3A_174 = arith.constant 1024 : i32
        %mul3A_175 = arith.muli %scan3A_75, %mul3A_174 : i32
        %mul3A_176 = arith.constant 16 : i32
        %mul3A_177 = arith.muli %scan3A_173, %mul3A_176 : i32
        %add3A_178 = arith.addi %mul3A_175, %mul3A_177 : i32
        %get3A_179 = arith.index_cast %add3A_178 : i32 to index
        %get3A_180 = tpu.vector_load %arg6[%get3A_179] {strides = array<i32>} : memref<25600xi32, #tpu.memory_space<vmem>>, vector<16xi32>,
        %gather3A_181 = tpu.vector_load_idx %arg5[%get3A_180] : memref<100000xf32, #tpu.memory_space<vmem>>[vector<16xi32>], vector<16xf32>,
        %mul3A_182 = arith.constant 16 : i32
        %mul3A_183 = arith.muli %scan3A_173, %mul3A_182 : i32
        %swap3A_184 = arith.index_cast %rem3A_80 : i32 to index
        %swap3A_185 = arith.index_cast %mul3A_183 : i32 to index
        %swap3A_186 = tpu.vector_load %arg7[%swap3A_184, %swap3A_185] {strides = array<i32>} : memref<2x1024xf32, #tpu.memory_space<vmem>>, vector<16xf32>,
        tpu.vector_store %arg7[%swap3A_184, %swap3A_185], %gather3A_181 {strides = array<i32>} : memref<2x1024xf32, #tpu.memory_space<vmem>>, vector<16xf32>,
        %scan3A_187 = arith.constant 6 : i32
        %scan3A_188 = arith.addi %scan3A_101, %scan3A_187 : i32
        %mul3A_189 = arith.constant 1024 : i32
        %mul3A_190 = arith.muli %scan3A_75, %mul3A_189 : i32
        %mul3A_191 = arith.constant 16 : i32
        %mul3A_192 = arith.muli %scan3A_188, %mul3A_191 : i32
        %add3A_193 = arith.addi %mul3A_190, %mul3A_192 : i32
        %get3A_194 = arith.index_cast %add3A_193 : i32 to index
        %get3A_195 = tpu.vector_load %arg6[%get3A_194] {strides = array<i32>} : memref<25600xi32, #tpu.memory_space<vmem>>, vector<16xi32>,
        %gather3A_196 = tpu.vector_load_idx %arg5[%get3A_195] : memref<100000xf32, #tpu.memory_space<vmem>>[vector<16xi32>], vector<16xf32>,
        %mul3A_197 = arith.constant 16 : i32
        %mul3A_198 = arith.muli %scan3A_188, %mul3A_197 : i32
        %swap3A_199 = arith.index_cast %rem3A_80 : i32 to index
        %swap3A_200 = arith.index_cast %mul3A_198 : i32 to index
        %swap3A_201 = tpu.vector_load %arg7[%swap3A_199, %swap3A_200] {strides = array<i32>} : memref<2x1024xf32, #tpu.memory_space<vmem>>, vector<16xf32>,
        tpu.vector_store %arg7[%swap3A_199, %swap3A_200], %gather3A_196 {strides = array<i32>} : memref<2x1024xf32, #tpu.memory_space<vmem>>, vector<16xf32>,
        %scan3A_202 = arith.constant 7 : i32
        %scan3A_203 = arith.addi %scan3A_101, %scan3A_202 : i32
        %mul3A_204 = arith.constant 1024 : i32
        %mul3A_205 = arith.muli %scan3A_75, %mul3A_204 : i32
        %mul3A_206 = arith.constant 16 : i32
        %mul3A_207 = arith.muli %scan3A_203, %mul3A_206 : i32
        %add3A_208 = arith.addi %mul3A_205, %mul3A_207 : i32
        %get3A_209 = arith.index_cast %add3A_208 : i32 to index
        %get3A_210 = tpu.vector_load %arg6[%get3A_209] {strides = array<i32>} : memref<25600xi32, #tpu.memory_space<vmem>>, vector<16xi32>,
        %gather3A_211 = tpu.vector_load_idx %arg5[%get3A_210] : memref<100000xf32, #tpu.memory_space<vmem>>[vector<16xi32>], vector<16xf32>,
        %mul3A_212 = arith.constant 16 : i32
        %mul3A_213 = arith.muli %scan3A_203, %mul3A_212 : i32
        %swap3A_214 = arith.index_cast %rem3A_80 : i32 to index
        %swap3A_215 = arith.index_cast %mul3A_213 : i32 to index
        %swap3A_216 = tpu.vector_load %arg7[%swap3A_214, %swap3A_215] {strides = array<i32>} : memref<2x1024xf32, #tpu.memory_space<vmem>>, vector<16xf32>,
        tpu.vector_store %arg7[%swap3A_214, %swap3A_215], %gather3A_211 {strides = array<i32>} : memref<2x1024xf32, #tpu.memory_space<vmem>>, vector<16xf32>,
      }
      %scan3A_87 = arith.constant 64 : i32
      %mul3A_88 = arith.constant 16 : i32
      %mul3A_89 = arith.muli %add3A_78, %mul3A_88 : i32
      %add3A_90 = arith.addi %mul3A_89, %select_n3A_9 : i32
      %mul3A_91 = arith.constant 1024 : i32
      %mul3A_92 = arith.muli %add3A_90, %mul3A_91 : i32
      %dma_start3A_93 = arith.constant 0 : i32
      %dma_start3A_94 = tpu.memref_slice %arg7[%rem3A_80, %dma_start3A_93] : memref<2x1024xf32, #tpu.memory_space<vmem>> -> memref<1x1024xf32, #tpu.memory_space<vmem>>
      %dma_start3A_95 = tpu.memref_squeeze %dma_start3A_94 : memref<1x1024xf32, #tpu.memory_space<vmem>> -> memref<1024xf32, #tpu.memory_space<vmem>>
      %dma_start3A_96 = tpu.memref_slice %arg4[%mul3A_92] : memref<819200xf32, #tpu.memory_space<hbm>> -> memref<1024xf32, #tpu.memory_space<hbm>>
      %dma_start3A_97 = tpu.memref_slice %arg4[%mul3A_92] : memref<819200xf32, #tpu.memory_space<hbm>> -> memref<1024xf32, #tpu.memory_space<hbm>>
      %dma_start3A_98 = arith.constant 0 : i32
      %dma_start3A_99 = tpu.memref_slice %arg7[%rem3A_80, %dma_start3A_98] : memref<2x1024xf32, #tpu.memory_space<vmem>> -> memref<1x1024xf32, #tpu.memory_space<vmem>>
      %dma_start3A_100 = tpu.memref_squeeze %dma_start3A_99 : memref<1x1024xf32, #tpu.memory_space<vmem>> -> memref<1024xf32, #tpu.memory_space<vmem>>
      tpu.enqueue_dma source(%dma_start3A_100 : memref<1024xf32, #tpu.memory_space<vmem>>) target(%dma_start3A_97 : memref<1024xf32, #tpu.memory_space<hbm>>) target_semaphore(%arg9 : memref<!tpu.dma_semaphore, #tpu.memory_space<semaphore_mem>>)
    }
    %scan3A_52 = arith.constant 25 : i32
    %dma_wait3A_53 = arith.constant 0 : i32
    %dma_wait3A_54 = arith.constant 0 : i32
    %dma_wait3A_55 = tpu.memref_slice %arg7[%dma_wait3A_53, %dma_wait3A_54] : memref<2x1024xf32, #tpu.memory_space<vmem>> -> memref<1x1024xf32, #tpu.memory_space<vmem>>
    %dma_wait3A_56 = tpu.memref_squeeze %dma_wait3A_55 : memref<1x1024xf32, #tpu.memory_space<vmem>> -> memref<1024xf32, #tpu.memory_space<vmem>>
    %dma_wait3A_57 = arith.constant 0 : i32
    %dma_wait3A_58 = tpu.memref_slice %arg4[%dma_wait3A_57] : memref<819200xf32, #tpu.memory_space<hbm>> -> memref<1024xf32, #tpu.memory_space<hbm>>
    %dma_wait3A_59 = arith.constant 0 : i32
    %dma_wait3A_60 = tpu.memref_slice %arg7[%dma_wait3A_53, %dma_wait3A_59] : memref<2x1024xf32, #tpu.memory_space<vmem>> -> memref<1x1024xf32, #tpu.memory_space<vmem>>
    %dma_wait3A_61 = tpu.memref_squeeze %dma_wait3A_60 : memref<1x1024xf32, #tpu.memory_space<vmem>> -> memref<1024xf32, #tpu.memory_space<vmem>>
    %dma_wait3A_62 = arith.constant 0 : i32
    %dma_wait3A_63 = tpu.memref_slice %arg4[%dma_wait3A_62] : memref<819200xf32, #tpu.memory_space<hbm>> -> memref<1024xf32, #tpu.memory_space<hbm>>
    tpu.wait_dma2 semaphore(%arg9 : memref<!tpu.dma_semaphore, #tpu.memory_space<semaphore_mem>>) src(%dma_wait3A_63 : memref<1024xf32, #tpu.memory_space<hbm>>) dst(%dma_wait3A_61 : memref<1024xf32, #tpu.memory_space<vmem>>)
    %dma_wait3A_64 = arith.constant 1 : i32
    %dma_wait3A_65 = arith.constant 0 : i32
    %dma_wait3A_66 = tpu.memref_slice %arg7[%dma_wait3A_64, %dma_wait3A_65] : memref<2x1024xf32, #tpu.memory_space<vmem>> -> memref<1x1024xf32, #tpu.memory_space<vmem>>
    %dma_wait3A_67 = tpu.memref_squeeze %dma_wait3A_66 : memref<1x1024xf32, #tpu.memory_space<vmem>> -> memref<1024xf32, #tpu.memory_space<vmem>>
    %dma_wait3A_68 = arith.constant 0 : i32
    %dma_wait3A_69 = tpu.memref_slice %arg4[%dma_wait3A_68] : memref<819200xf32, #tpu.memory_space<hbm>> -> memref<1024xf32, #tpu.memory_space<hbm>>
    %dma_wait3A_70 = arith.constant 0 : i32
    %dma_wait3A_71 = tpu.memref_slice %arg7[%dma_wait3A_64, %dma_wait3A_70] : memref<2x1024xf32, #tpu.memory_space<vmem>> -> memref<1x1024xf32, #tpu.memory_space<vmem>>
    %dma_wait3A_72 = tpu.memref_squeeze %dma_wait3A_71 : memref<1x1024xf32, #tpu.memory_space<vmem>> -> memref<1024xf32, #tpu.memory_space<vmem>>
    %dma_wait3A_73 = arith.constant 0 : i32
    %dma_wait3A_74 = tpu.memref_slice %arg4[%dma_wait3A_73] : memref<819200xf32, #tpu.memory_space<hbm>> -> memref<1024xf32, #tpu.memory_space<hbm>>
    tpu.wait_dma2 semaphore(%arg9 : memref<!tpu.dma_semaphore, #tpu.memory_space<semaphore_mem>>) src(%dma_wait3A_74 : memref<1024xf32, #tpu.memory_space<hbm>>) dst(%dma_wait3A_72 : memref<1024xf32, #tpu.memory_space<vmem>>)
    return
  }
}

module attributes {stable_mosaic.version = 14 : i64} {
  func.func @_expand_body(%arg0: i32, %arg1: memref<128x128xf32, #tpu.memory_space<vmem>>, %arg2: memref<1x16x32x1024xf32, #tpu.memory_space<vmem>>) attributes {dimension_semantics = [#tpu.dimension_semantics<arbitrary>], iteration_bounds = array<i64: 50>, scalar_prefetch = 0 : i64, scratch_operands = 0 : i64, tpu.core_type = #tpu.core_type<tc>, window_params = [{transform_indices = @transform_0, window_bounds = array<i64: 128, 128>}, {transform_indices = @transform_1, window_bounds = array<i64: 1, 16, 32, 1024>}]} {
    %get3A = arith.constant 0 : index
    %get3A_0 = arith.constant 0 : index
    %get3A_1 = vector.load %arg1[%get3A, %get3A_0] : memref<128x128xf32, #tpu.memory_space<vmem>>, vector<128x128xf32>
    %bitcast_convert_type3A = tpu.bitcast %get3A_1 : vector<128x128xf32> -> vector<128x128xi32>
    %iota3A = tpu.iota {dimensions = array<i32: 0>} : vector<32x128xi32>
    %sub3A = arith.constant 31 : i32
    %sub3A_2 = vector.broadcast %sub3A : i32 to vector<32x128xi32>
    %sub3A_3 = arith.subi %sub3A_2, %iota3A : vector<32x128xi32>
    %shift_left3A = arith.constant 1 : i32
    %shift_left3A_4 = vector.broadcast %shift_left3A : i32 to vector<32x128xi32>
    %shift_left3A_5 = arith.shli %shift_left3A_4, %sub3A_3 : vector<32x128xi32>
    %slice3A = vector.extract_strided_slice %bitcast_convert_type3A {offsets = [0, 0], sizes = [1, 128], strides = [1, 1]} : vector<128x128xi32> to vector<1x128xi32>
    %broadcast_in_dim3A = vector.shape_cast %slice3A : vector<1x128xi32> to vector<1x128xi32>
    %broadcast_in_dim3A_6 = vector.broadcast %broadcast_in_dim3A : vector<1x128xi32> to vector<32x128xi32>
    %and3A = arith.andi %broadcast_in_dim3A_6, %shift_left3A_5 : vector<32x128xi32>
    %ne3A = arith.constant 0 : i32
    %ne3A_7 = vector.broadcast %ne3A : i32 to vector<32x128xi32>
    %ne3A_8 = arith.cmpi ne, %and3A, %ne3A_7 : vector<32x128xi32>
    %convert_element_type3A = arith.extui %ne3A_8 : vector<32x128xi1> to vector<32x128xi32>
    %convert_element_type3A_9 = arith.sitofp %convert_element_type3A : vector<32x128xi32> to vector<32x128xf32>
    %slice3A_10 = vector.extract_strided_slice %bitcast_convert_type3A {offsets = [1, 0], sizes = [1, 128], strides = [1, 1]} : vector<128x128xi32> to vector<1x128xi32>
    %broadcast_in_dim3A_11 = vector.shape_cast %slice3A_10 : vector<1x128xi32> to vector<1x128xi32>
    %broadcast_in_dim3A_12 = vector.broadcast %broadcast_in_dim3A_11 : vector<1x128xi32> to vector<32x128xi32>
    %and3A_13 = arith.andi %broadcast_in_dim3A_12, %shift_left3A_5 : vector<32x128xi32>
    %ne3A_14 = arith.constant 0 : i32
    %ne3A_15 = vector.broadcast %ne3A_14 : i32 to vector<32x128xi32>
    %ne3A_16 = arith.cmpi ne, %and3A_13, %ne3A_15 : vector<32x128xi32>
    %convert_element_type3A_17 = arith.extui %ne3A_16 : vector<32x128xi1> to vector<32x128xi32>
    %convert_element_type3A_18 = arith.sitofp %convert_element_type3A_17 : vector<32x128xi32> to vector<32x128xf32>
    %slice3A_19 = vector.extract_strided_slice %bitcast_convert_type3A {offsets = [2, 0], sizes = [1, 128], strides = [1, 1]} : vector<128x128xi32> to vector<1x128xi32>
    %broadcast_in_dim3A_20 = vector.shape_cast %slice3A_19 : vector<1x128xi32> to vector<1x128xi32>
    %broadcast_in_dim3A_21 = vector.broadcast %broadcast_in_dim3A_20 : vector<1x128xi32> to vector<32x128xi32>
    %and3A_22 = arith.andi %broadcast_in_dim3A_21, %shift_left3A_5 : vector<32x128xi32>
    %ne3A_23 = arith.constant 0 : i32
    %ne3A_24 = vector.broadcast %ne3A_23 : i32 to vector<32x128xi32>
    %ne3A_25 = arith.cmpi ne, %and3A_22, %ne3A_24 : vector<32x128xi32>
    %convert_element_type3A_26 = arith.extui %ne3A_25 : vector<32x128xi1> to vector<32x128xi32>
    %convert_element_type3A_27 = arith.sitofp %convert_element_type3A_26 : vector<32x128xi32> to vector<32x128xf32>
    %slice3A_28 = vector.extract_strided_slice %bitcast_convert_type3A {offsets = [3, 0], sizes = [1, 128], strides = [1, 1]} : vector<128x128xi32> to vector<1x128xi32>
    %broadcast_in_dim3A_29 = vector.shape_cast %slice3A_28 : vector<1x128xi32> to vector<1x128xi32>
    %broadcast_in_dim3A_30 = vector.broadcast %broadcast_in_dim3A_29 : vector<1x128xi32> to vector<32x128xi32>
    %and3A_31 = arith.andi %broadcast_in_dim3A_30, %shift_left3A_5 : vector<32x128xi32>
    %ne3A_32 = arith.constant 0 : i32
    %ne3A_33 = vector.broadcast %ne3A_32 : i32 to vector<32x128xi32>
    %ne3A_34 = arith.cmpi ne, %and3A_31, %ne3A_33 : vector<32x128xi32>
    %convert_element_type3A_35 = arith.extui %ne3A_34 : vector<32x128xi1> to vector<32x128xi32>
    %convert_element_type3A_36 = arith.sitofp %convert_element_type3A_35 : vector<32x128xi32> to vector<32x128xf32>
    %slice3A_37 = vector.extract_strided_slice %bitcast_convert_type3A {offsets = [4, 0], sizes = [1, 128], strides = [1, 1]} : vector<128x128xi32> to vector<1x128xi32>
    %broadcast_in_dim3A_38 = vector.shape_cast %slice3A_37 : vector<1x128xi32> to vector<1x128xi32>
    %broadcast_in_dim3A_39 = vector.broadcast %broadcast_in_dim3A_38 : vector<1x128xi32> to vector<32x128xi32>
    %and3A_40 = arith.andi %broadcast_in_dim3A_39, %shift_left3A_5 : vector<32x128xi32>
    %ne3A_41 = arith.constant 0 : i32
    %ne3A_42 = vector.broadcast %ne3A_41 : i32 to vector<32x128xi32>
    %ne3A_43 = arith.cmpi ne, %and3A_40, %ne3A_42 : vector<32x128xi32>
    %convert_element_type3A_44 = arith.extui %ne3A_43 : vector<32x128xi1> to vector<32x128xi32>
    %convert_element_type3A_45 = arith.sitofp %convert_element_type3A_44 : vector<32x128xi32> to vector<32x128xf32>
    %slice3A_46 = vector.extract_strided_slice %bitcast_convert_type3A {offsets = [5, 0], sizes = [1, 128], strides = [1, 1]} : vector<128x128xi32> to vector<1x128xi32>
    %broadcast_in_dim3A_47 = vector.shape_cast %slice3A_46 : vector<1x128xi32> to vector<1x128xi32>
    %broadcast_in_dim3A_48 = vector.broadcast %broadcast_in_dim3A_47 : vector<1x128xi32> to vector<32x128xi32>
    %and3A_49 = arith.andi %broadcast_in_dim3A_48, %shift_left3A_5 : vector<32x128xi32>
    %ne3A_50 = arith.constant 0 : i32
    %ne3A_51 = vector.broadcast %ne3A_50 : i32 to vector<32x128xi32>
    %ne3A_52 = arith.cmpi ne, %and3A_49, %ne3A_51 : vector<32x128xi32>
    %convert_element_type3A_53 = arith.extui %ne3A_52 : vector<32x128xi1> to vector<32x128xi32>
    %convert_element_type3A_54 = arith.sitofp %convert_element_type3A_53 : vector<32x128xi32> to vector<32x128xf32>
    %slice3A_55 = vector.extract_strided_slice %bitcast_convert_type3A {offsets = [6, 0], sizes = [1, 128], strides = [1, 1]} : vector<128x128xi32> to vector<1x128xi32>
    %broadcast_in_dim3A_56 = vector.shape_cast %slice3A_55 : vector<1x128xi32> to vector<1x128xi32>
    %broadcast_in_dim3A_57 = vector.broadcast %broadcast_in_dim3A_56 : vector<1x128xi32> to vector<32x128xi32>
    %and3A_58 = arith.andi %broadcast_in_dim3A_57, %shift_left3A_5 : vector<32x128xi32>
    %ne3A_59 = arith.constant 0 : i32
    %ne3A_60 = vector.broadcast %ne3A_59 : i32 to vector<32x128xi32>
    %ne3A_61 = arith.cmpi ne, %and3A_58, %ne3A_60 : vector<32x128xi32>
    %convert_element_type3A_62 = arith.extui %ne3A_61 : vector<32x128xi1> to vector<32x128xi32>
    %convert_element_type3A_63 = arith.sitofp %convert_element_type3A_62 : vector<32x128xi32> to vector<32x128xf32>
    %slice3A_64 = vector.extract_strided_slice %bitcast_convert_type3A {offsets = [7, 0], sizes = [1, 128], strides = [1, 1]} : vector<128x128xi32> to vector<1x128xi32>
    %broadcast_in_dim3A_65 = vector.shape_cast %slice3A_64 : vector<1x128xi32> to vector<1x128xi32>
    %broadcast_in_dim3A_66 = vector.broadcast %broadcast_in_dim3A_65 : vector<1x128xi32> to vector<32x128xi32>
    %and3A_67 = arith.andi %broadcast_in_dim3A_66, %shift_left3A_5 : vector<32x128xi32>
    %ne3A_68 = arith.constant 0 : i32
    %ne3A_69 = vector.broadcast %ne3A_68 : i32 to vector<32x128xi32>
    %ne3A_70 = arith.cmpi ne, %and3A_67, %ne3A_69 : vector<32x128xi32>
    %convert_element_type3A_71 = arith.extui %ne3A_70 : vector<32x128xi1> to vector<32x128xi32>
    %convert_element_type3A_72 = arith.sitofp %convert_element_type3A_71 : vector<32x128xi32> to vector<32x128xf32>
    %concatenate3A = tpu.concatenate %convert_element_type3A_9, %convert_element_type3A_18, %convert_element_type3A_27, %convert_element_type3A_36, %convert_element_type3A_45, %convert_element_type3A_54, %convert_element_type3A_63, %convert_element_type3A_72 in 1 : vector<32x128xf32>, vector<32x128xf32>, vector<32x128xf32>, vector<32x128xf32>, vector<32x128xf32>, vector<32x128xf32>, vector<32x128xf32>, vector<32x128xf32> -> vector<32x1024xf32>
    %swap3A = arith.constant 0 : index
    %swap3A_73 = arith.constant 0 : index
    %swap3A_74 = arith.constant 0 : index
    %swap3A_75 = arith.constant 0 : index
    %swap3A_76 = vector.load %arg2[%swap3A, %swap3A_73, %swap3A_74, %swap3A_75] : memref<1x16x32x1024xf32, #tpu.memory_space<vmem>>, vector<1x1x32x1024xf32>
    %swap3A_77 = vector.shape_cast %swap3A_76 : vector<1x1x32x1024xf32> to vector<32x1024xf32>
    %swap3A_78 = vector.shape_cast %concatenate3A : vector<32x1024xf32> to vector<1x1x32x1024xf32>
    tpu.vector_store %arg2[%swap3A, %swap3A_73, %swap3A_74, %swap3A_75], %swap3A_78 {strides = array<i32>} : memref<1x16x32x1024xf32, #tpu.memory_space<vmem>>, vector<1x1x32x1024xf32>,
    %slice3A_79 = vector.extract_strided_slice %bitcast_convert_type3A {offsets = [8, 0], sizes = [1, 128], strides = [1, 1]} : vector<128x128xi32> to vector<1x128xi32>
    %broadcast_in_dim3A_80 = vector.shape_cast %slice3A_79 : vector<1x128xi32> to vector<1x128xi32>
    %broadcast_in_dim3A_81 = vector.broadcast %broadcast_in_dim3A_80 : vector<1x128xi32> to vector<32x128xi32>
    %and3A_82 = arith.andi %broadcast_in_dim3A_81, %shift_left3A_5 : vector<32x128xi32>
    %ne3A_83 = arith.constant 0 : i32
    %ne3A_84 = vector.broadcast %ne3A_83 : i32 to vector<32x128xi32>
    %ne3A_85 = arith.cmpi ne, %and3A_82, %ne3A_84 : vector<32x128xi32>
    %convert_element_type3A_86 = arith.extui %ne3A_85 : vector<32x128xi1> to vector<32x128xi32>
    %convert_element_type3A_87 = arith.sitofp %convert_element_type3A_86 : vector<32x128xi32> to vector<32x128xf32>
    %slice3A_88 = vector.extract_strided_slice %bitcast_convert_type3A {offsets = [9, 0], sizes = [1, 128], strides = [1, 1]} : vector<128x128xi32> to vector<1x128xi32>
    %broadcast_in_dim3A_89 = vector.shape_cast %slice3A_88 : vector<1x128xi32> to vector<1x128xi32>
    %broadcast_in_dim3A_90 = vector.broadcast %broadcast_in_dim3A_89 : vector<1x128xi32> to vector<32x128xi32>
    %and3A_91 = arith.andi %broadcast_in_dim3A_90, %shift_left3A_5 : vector<32x128xi32>
    %ne3A_92 = arith.constant 0 : i32
    %ne3A_93 = vector.broadcast %ne3A_92 : i32 to vector<32x128xi32>
    %ne3A_94 = arith.cmpi ne, %and3A_91, %ne3A_93 : vector<32x128xi32>
    %convert_element_type3A_95 = arith.extui %ne3A_94 : vector<32x128xi1> to vector<32x128xi32>
    %convert_element_type3A_96 = arith.sitofp %convert_element_type3A_95 : vector<32x128xi32> to vector<32x128xf32>
    %slice3A_97 = vector.extract_strided_slice %bitcast_convert_type3A {offsets = [10, 0], sizes = [1, 128], strides = [1, 1]} : vector<128x128xi32> to vector<1x128xi32>
    %broadcast_in_dim3A_98 = vector.shape_cast %slice3A_97 : vector<1x128xi32> to vector<1x128xi32>
    %broadcast_in_dim3A_99 = vector.broadcast %broadcast_in_dim3A_98 : vector<1x128xi32> to vector<32x128xi32>
    %and3A_100 = arith.andi %broadcast_in_dim3A_99, %shift_left3A_5 : vector<32x128xi32>
    %ne3A_101 = arith.constant 0 : i32
    %ne3A_102 = vector.broadcast %ne3A_101 : i32 to vector<32x128xi32>
    %ne3A_103 = arith.cmpi ne, %and3A_100, %ne3A_102 : vector<32x128xi32>
    %convert_element_type3A_104 = arith.extui %ne3A_103 : vector<32x128xi1> to vector<32x128xi32>
    %convert_element_type3A_105 = arith.sitofp %convert_element_type3A_104 : vector<32x128xi32> to vector<32x128xf32>
    %slice3A_106 = vector.extract_strided_slice %bitcast_convert_type3A {offsets = [11, 0], sizes = [1, 128], strides = [1, 1]} : vector<128x128xi32> to vector<1x128xi32>
    %broadcast_in_dim3A_107 = vector.shape_cast %slice3A_106 : vector<1x128xi32> to vector<1x128xi32>
    %broadcast_in_dim3A_108 = vector.broadcast %broadcast_in_dim3A_107 : vector<1x128xi32> to vector<32x128xi32>
    %and3A_109 = arith.andi %broadcast_in_dim3A_108, %shift_left3A_5 : vector<32x128xi32>
    %ne3A_110 = arith.constant 0 : i32
    %ne3A_111 = vector.broadcast %ne3A_110 : i32 to vector<32x128xi32>
    %ne3A_112 = arith.cmpi ne, %and3A_109, %ne3A_111 : vector<32x128xi32>
    %convert_element_type3A_113 = arith.extui %ne3A_112 : vector<32x128xi1> to vector<32x128xi32>
    %convert_element_type3A_114 = arith.sitofp %convert_element_type3A_113 : vector<32x128xi32> to vector<32x128xf32>
    %slice3A_115 = vector.extract_strided_slice %bitcast_convert_type3A {offsets = [12, 0], sizes = [1, 128], strides = [1, 1]} : vector<128x128xi32> to vector<1x128xi32>
    %broadcast_in_dim3A_116 = vector.shape_cast %slice3A_115 : vector<1x128xi32> to vector<1x128xi32>
    %broadcast_in_dim3A_117 = vector.broadcast %broadcast_in_dim3A_116 : vector<1x128xi32> to vector<32x128xi32>
    %and3A_118 = arith.andi %broadcast_in_dim3A_117, %shift_left3A_5 : vector<32x128xi32>
    %ne3A_119 = arith.constant 0 : i32
    %ne3A_120 = vector.broadcast %ne3A_119 : i32 to vector<32x128xi32>
    %ne3A_121 = arith.cmpi ne, %and3A_118, %ne3A_120 : vector<32x128xi32>
    %convert_element_type3A_122 = arith.extui %ne3A_121 : vector<32x128xi1> to vector<32x128xi32>
    %convert_element_type3A_123 = arith.sitofp %convert_element_type3A_122 : vector<32x128xi32> to vector<32x128xf32>
    %slice3A_124 = vector.extract_strided_slice %bitcast_convert_type3A {offsets = [13, 0], sizes = [1, 128], strides = [1, 1]} : vector<128x128xi32> to vector<1x128xi32>
    %broadcast_in_dim3A_125 = vector.shape_cast %slice3A_124 : vector<1x128xi32> to vector<1x128xi32>
    %broadcast_in_dim3A_126 = vector.broadcast %broadcast_in_dim3A_125 : vector<1x128xi32> to vector<32x128xi32>
    %and3A_127 = arith.andi %broadcast_in_dim3A_126, %shift_left3A_5 : vector<32x128xi32>
    %ne3A_128 = arith.constant 0 : i32
    %ne3A_129 = vector.broadcast %ne3A_128 : i32 to vector<32x128xi32>
    %ne3A_130 = arith.cmpi ne, %and3A_127, %ne3A_129 : vector<32x128xi32>
    %convert_element_type3A_131 = arith.extui %ne3A_130 : vector<32x128xi1> to vector<32x128xi32>
    %convert_element_type3A_132 = arith.sitofp %convert_element_type3A_131 : vector<32x128xi32> to vector<32x128xf32>
    %slice3A_133 = vector.extract_strided_slice %bitcast_convert_type3A {offsets = [14, 0], sizes = [1, 128], strides = [1, 1]} : vector<128x128xi32> to vector<1x128xi32>
    %broadcast_in_dim3A_134 = vector.shape_cast %slice3A_133 : vector<1x128xi32> to vector<1x128xi32>
    %broadcast_in_dim3A_135 = vector.broadcast %broadcast_in_dim3A_134 : vector<1x128xi32> to vector<32x128xi32>
    %and3A_136 = arith.andi %broadcast_in_dim3A_135, %shift_left3A_5 : vector<32x128xi32>
    %ne3A_137 = arith.constant 0 : i32
    %ne3A_138 = vector.broadcast %ne3A_137 : i32 to vector<32x128xi32>
    %ne3A_139 = arith.cmpi ne, %and3A_136, %ne3A_138 : vector<32x128xi32>
    %convert_element_type3A_140 = arith.extui %ne3A_139 : vector<32x128xi1> to vector<32x128xi32>
    %convert_element_type3A_141 = arith.sitofp %convert_element_type3A_140 : vector<32x128xi32> to vector<32x128xf32>
    %slice3A_142 = vector.extract_strided_slice %bitcast_convert_type3A {offsets = [15, 0], sizes = [1, 128], strides = [1, 1]} : vector<128x128xi32> to vector<1x128xi32>
    %broadcast_in_dim3A_143 = vector.shape_cast %slice3A_142 : vector<1x128xi32> to vector<1x128xi32>
    %broadcast_in_dim3A_144 = vector.broadcast %broadcast_in_dim3A_143 : vector<1x128xi32> to vector<32x128xi32>
    %and3A_145 = arith.andi %broadcast_in_dim3A_144, %shift_left3A_5 : vector<32x128xi32>
    %ne3A_146 = arith.constant 0 : i32
    %ne3A_147 = vector.broadcast %ne3A_146 : i32 to vector<32x128xi32>
    %ne3A_148 = arith.cmpi ne, %and3A_145, %ne3A_147 : vector<32x128xi32>
    %convert_element_type3A_149 = arith.extui %ne3A_148 : vector<32x128xi1> to vector<32x128xi32>
    %convert_element_type3A_150 = arith.sitofp %convert_element_type3A_149 : vector<32x128xi32> to vector<32x128xf32>
    %concatenate3A_151 = tpu.concatenate %convert_element_type3A_87, %convert_element_type3A_96, %convert_element_type3A_105, %convert_element_type3A_114, %convert_element_type3A_123, %convert_element_type3A_132, %convert_element_type3A_141, %convert_element_type3A_150 in 1 : vector<32x128xf32>, vector<32x128xf32>, vector<32x128xf32>, vector<32x128xf32>, vector<32x128xf32>, vector<32x128xf32>, vector<32x128xf32>, vector<32x128xf32> -> vector<32x1024xf32>
    %swap3A_152 = arith.constant 0 : index
    %swap3A_153 = arith.constant 1 : index
    %swap3A_154 = arith.constant 0 : index
    %swap3A_155 = arith.constant 0 : index
    %swap3A_156 = vector.load %arg2[%swap3A_152, %swap3A_153, %swap3A_154, %swap3A_155] : memref<1x16x32x1024xf32, #tpu.memory_space<vmem>>, vector<1x1x32x1024xf32>
    %swap3A_157 = vector.shape_cast %swap3A_156 : vector<1x1x32x1024xf32> to vector<32x1024xf32>
    %swap3A_158 = vector.shape_cast %concatenate3A_151 : vector<32x1024xf32> to vector<1x1x32x1024xf32>
    tpu.vector_store %arg2[%swap3A_152, %swap3A_153, %swap3A_154, %swap3A_155], %swap3A_158 {strides = array<i32>} : memref<1x16x32x1024xf32, #tpu.memory_space<vmem>>, vector<1x1x32x1024xf32>,
    %slice3A_159 = vector.extract_strided_slice %bitcast_convert_type3A {offsets = [16, 0], sizes = [1, 128], strides = [1, 1]} : vector<128x128xi32> to vector<1x128xi32>
    %broadcast_in_dim3A_160 = vector.shape_cast %slice3A_159 : vector<1x128xi32> to vector<1x128xi32>
    %broadcast_in_dim3A_161 = vector.broadcast %broadcast_in_dim3A_160 : vector<1x128xi32> to vector<32x128xi32>
    %and3A_162 = arith.andi %broadcast_in_dim3A_161, %shift_left3A_5 : vector<32x128xi32>
    %ne3A_163 = arith.constant 0 : i32
    %ne3A_164 = vector.broadcast %ne3A_163 : i32 to vector<32x128xi32>
    %ne3A_165 = arith.cmpi ne, %and3A_162, %ne3A_164 : vector<32x128xi32>
    %convert_element_type3A_166 = arith.extui %ne3A_165 : vector<32x128xi1> to vector<32x128xi32>
    %convert_element_type3A_167 = arith.sitofp %convert_element_type3A_166 : vector<32x128xi32> to vector<32x128xf32>
    %slice3A_168 = vector.extract_strided_slice %bitcast_convert_type3A {offsets = [17, 0], sizes = [1, 128], strides = [1, 1]} : vector<128x128xi32> to vector<1x128xi32>
    %broadcast_in_dim3A_169 = vector.shape_cast %slice3A_168 : vector<1x128xi32> to vector<1x128xi32>
    %broadcast_in_dim3A_170 = vector.broadcast %broadcast_in_dim3A_169 : vector<1x128xi32> to vector<32x128xi32>
    %and3A_171 = arith.andi %broadcast_in_dim3A_170, %shift_left3A_5 : vector<32x128xi32>
    %ne3A_172 = arith.constant 0 : i32
    %ne3A_173 = vector.broadcast %ne3A_172 : i32 to vector<32x128xi32>
    %ne3A_174 = arith.cmpi ne, %and3A_171, %ne3A_173 : vector<32x128xi32>
    %convert_element_type3A_175 = arith.extui %ne3A_174 : vector<32x128xi1> to vector<32x128xi32>
    %convert_element_type3A_176 = arith.sitofp %convert_element_type3A_175 : vector<32x128xi32> to vector<32x128xf32>
    %slice3A_177 = vector.extract_strided_slice %bitcast_convert_type3A {offsets = [18, 0], sizes = [1, 128], strides = [1, 1]} : vector<128x128xi32> to vector<1x128xi32>
    %broadcast_in_dim3A_178 = vector.shape_cast %slice3A_177 : vector<1x128xi32> to vector<1x128xi32>
    %broadcast_in_dim3A_179 = vector.broadcast %broadcast_in_dim3A_178 : vector<1x128xi32> to vector<32x128xi32>
    %and3A_180 = arith.andi %broadcast_in_dim3A_179, %shift_left3A_5 : vector<32x128xi32>
    %ne3A_181 = arith.constant 0 : i32
    %ne3A_182 = vector.broadcast %ne3A_181 : i32 to vector<32x128xi32>
    %ne3A_183 = arith.cmpi ne, %and3A_180, %ne3A_182 : vector<32x128xi32>
    %convert_element_type3A_184 = arith.extui %ne3A_183 : vector<32x128xi1> to vector<32x128xi32>
    %convert_element_type3A_185 = arith.sitofp %convert_element_type3A_184 : vector<32x128xi32> to vector<32x128xf32>
    %slice3A_186 = vector.extract_strided_slice %bitcast_convert_type3A {offsets = [19, 0], sizes = [1, 128], strides = [1, 1]} : vector<128x128xi32> to vector<1x128xi32>
    %broadcast_in_dim3A_187 = vector.shape_cast %slice3A_186 : vector<1x128xi32> to vector<1x128xi32>
    %broadcast_in_dim3A_188 = vector.broadcast %broadcast_in_dim3A_187 : vector<1x128xi32> to vector<32x128xi32>
    %and3A_189 = arith.andi %broadcast_in_dim3A_188, %shift_left3A_5 : vector<32x128xi32>
    %ne3A_190 = arith.constant 0 : i32
    %ne3A_191 = vector.broadcast %ne3A_190 : i32 to vector<32x128xi32>
    %ne3A_192 = arith.cmpi ne, %and3A_189, %ne3A_191 : vector<32x128xi32>
    %convert_element_type3A_193 = arith.extui %ne3A_192 : vector<32x128xi1> to vector<32x128xi32>
    %convert_element_type3A_194 = arith.sitofp %convert_element_type3A_193 : vector<32x128xi32> to vector<32x128xf32>
    %slice3A_195 = vector.extract_strided_slice %bitcast_convert_type3A {offsets = [20, 0], sizes = [1, 128], strides = [1, 1]} : vector<128x128xi32> to vector<1x128xi32>
    %broadcast_in_dim3A_196 = vector.shape_cast %slice3A_195 : vector<1x128xi32> to vector<1x128xi32>
    %broadcast_in_dim3A_197 = vector.broadcast %broadcast_in_dim3A_196 : vector<1x128xi32> to vector<32x128xi32>
    %and3A_198 = arith.andi %broadcast_in_dim3A_197, %shift_left3A_5 : vector<32x128xi32>
    %ne3A_199 = arith.constant 0 : i32
    %ne3A_200 = vector.broadcast %ne3A_199 : i32 to vector<32x128xi32>
    %ne3A_201 = arith.cmpi ne, %and3A_198, %ne3A_200 : vector<32x128xi32>
    %convert_element_type3A_202 = arith.extui %ne3A_201 : vector<32x128xi1> to vector<32x128xi32>
    %convert_element_type3A_203 = arith.sitofp %convert_element_type3A_202 : vector<32x128xi32> to vector<32x128xf32>
    %slice3A_204 = vector.extract_strided_slice %bitcast_convert_type3A {offsets = [21, 0], sizes = [1, 128], strides = [1, 1]} : vector<128x128xi32> to vector<1x128xi32>
    %broadcast_in_dim3A_205 = vector.shape_cast %slice3A_204 : vector<1x128xi32> to vector<1x128xi32>
    %broadcast_in_dim3A_206 = vector.broadcast %broadcast_in_dim3A_205 : vector<1x128xi32> to vector<32x128xi32>
    %and3A_207 = arith.andi %broadcast_in_dim3A_206, %shift_left3A_5 : vector<32x128xi32>
    %ne3A_208 = arith.constant 0 : i32
    %ne3A_209 = vector.broadcast %ne3A_208 : i32 to vector<32x128xi32>
    %ne3A_210 = arith.cmpi ne, %and3A_207, %ne3A_209 : vector<32x128xi32>
    %convert_element_type3A_211 = arith.extui %ne3A_210 : vector<32x128xi1> to vector<32x128xi32>
    %convert_element_type3A_212 = arith.sitofp %convert_element_type3A_211 : vector<32x128xi32> to vector<32x128xf32>
    %slice3A_213 = vector.extract_strided_slice %bitcast_convert_type3A {offsets = [22, 0], sizes = [1, 128], strides = [1, 1]} : vector<128x128xi32> to vector<1x128xi32>
    %broadcast_in_dim3A_214 = vector.shape_cast %slice3A_213 : vector<1x128xi32> to vector<1x128xi32>
    %broadcast_in_dim3A_215 = vector.broadcast %broadcast_in_dim3A_214 : vector<1x128xi32> to vector<32x128xi32>
    %and3A_216 = arith.andi %broadcast_in_dim3A_215, %shift_left3A_5 : vector<32x128xi32>
    %ne3A_217 = arith.constant 0 : i32
    %ne3A_218 = vector.broadcast %ne3A_217 : i32 to vector<32x128xi32>
    %ne3A_219 = arith.cmpi ne, %and3A_216, %ne3A_218 : vector<32x128xi32>
    %convert_element_type3A_220 = arith.extui %ne3A_219 : vector<32x128xi1> to vector<32x128xi32>
    %convert_element_type3A_221 = arith.sitofp %convert_element_type3A_220 : vector<32x128xi32> to vector<32x128xf32>
    %slice3A_222 = vector.extract_strided_slice %bitcast_convert_type3A {offsets = [23, 0], sizes = [1, 128], strides = [1, 1]} : vector<128x128xi32> to vector<1x128xi32>
    %broadcast_in_dim3A_223 = vector.shape_cast %slice3A_222 : vector<1x128xi32> to vector<1x128xi32>
    %broadcast_in_dim3A_224 = vector.broadcast %broadcast_in_dim3A_223 : vector<1x128xi32> to vector<32x128xi32>
    %and3A_225 = arith.andi %broadcast_in_dim3A_224, %shift_left3A_5 : vector<32x128xi32>
    %ne3A_226 = arith.constant 0 : i32
    %ne3A_227 = vector.broadcast %ne3A_226 : i32 to vector<32x128xi32>
    %ne3A_228 = arith.cmpi ne, %and3A_225, %ne3A_227 : vector<32x128xi32>
    %convert_element_type3A_229 = arith.extui %ne3A_228 : vector<32x128xi1> to vector<32x128xi32>
    %convert_element_type3A_230 = arith.sitofp %convert_element_type3A_229 : vector<32x128xi32> to vector<32x128xf32>
    %concatenate3A_231 = tpu.concatenate %convert_element_type3A_167, %convert_element_type3A_176, %convert_element_type3A_185, %convert_element_type3A_194, %convert_element_type3A_203, %convert_element_type3A_212, %convert_element_type3A_221, %convert_element_type3A_230 in 1 : vector<32x128xf32>, vector<32x128xf32>, vector<32x128xf32>, vector<32x128xf32>, vector<32x128xf32>, vector<32x128xf32>, vector<32x128xf32>, vector<32x128xf32> -> vector<32x1024xf32>
    %swap3A_232 = arith.constant 0 : index
    %swap3A_233 = arith.constant 2 : index
    %swap3A_234 = arith.constant 0 : index
    %swap3A_235 = arith.constant 0 : index
    %swap3A_236 = vector.load %arg2[%swap3A_232, %swap3A_233, %swap3A_234, %swap3A_235] : memref<1x16x32x1024xf32, #tpu.memory_space<vmem>>, vector<1x1x32x1024xf32>
    %swap3A_237 = vector.shape_cast %swap3A_236 : vector<1x1x32x1024xf32> to vector<32x1024xf32>
    %swap3A_238 = vector.shape_cast %concatenate3A_231 : vector<32x1024xf32> to vector<1x1x32x1024xf32>
    tpu.vector_store %arg2[%swap3A_232, %swap3A_233, %swap3A_234, %swap3A_235], %swap3A_238 {strides = array<i32>} : memref<1x16x32x1024xf32, #tpu.memory_space<vmem>>, vector<1x1x32x1024xf32>,
    %slice3A_239 = vector.extract_strided_slice %bitcast_convert_type3A {offsets = [24, 0], sizes = [1, 128], strides = [1, 1]} : vector<128x128xi32> to vector<1x128xi32>
    %broadcast_in_dim3A_240 = vector.shape_cast %slice3A_239 : vector<1x128xi32> to vector<1x128xi32>
    %broadcast_in_dim3A_241 = vector.broadcast %broadcast_in_dim3A_240 : vector<1x128xi32> to vector<32x128xi32>
    %and3A_242 = arith.andi %broadcast_in_dim3A_241, %shift_left3A_5 : vector<32x128xi32>
    %ne3A_243 = arith.constant 0 : i32
    %ne3A_244 = vector.broadcast %ne3A_243 : i32 to vector<32x128xi32>
    %ne3A_245 = arith.cmpi ne, %and3A_242, %ne3A_244 : vector<32x128xi32>
    %convert_element_type3A_246 = arith.extui %ne3A_245 : vector<32x128xi1> to vector<32x128xi32>
    %convert_element_type3A_247 = arith.sitofp %convert_element_type3A_246 : vector<32x128xi32> to vector<32x128xf32>
    %slice3A_248 = vector.extract_strided_slice %bitcast_convert_type3A {offsets = [25, 0], sizes = [1, 128], strides = [1, 1]} : vector<128x128xi32> to vector<1x128xi32>
    %broadcast_in_dim3A_249 = vector.shape_cast %slice3A_248 : vector<1x128xi32> to vector<1x128xi32>
    %broadcast_in_dim3A_250 = vector.broadcast %broadcast_in_dim3A_249 : vector<1x128xi32> to vector<32x128xi32>
    %and3A_251 = arith.andi %broadcast_in_dim3A_250, %shift_left3A_5 : vector<32x128xi32>
    %ne3A_252 = arith.constant 0 : i32
    %ne3A_253 = vector.broadcast %ne3A_252 : i32 to vector<32x128xi32>
    %ne3A_254 = arith.cmpi ne, %and3A_251, %ne3A_253 : vector<32x128xi32>
    %convert_element_type3A_255 = arith.extui %ne3A_254 : vector<32x128xi1> to vector<32x128xi32>
    %convert_element_type3A_256 = arith.sitofp %convert_element_type3A_255 : vector<32x128xi32> to vector<32x128xf32>
    %slice3A_257 = vector.extract_strided_slice %bitcast_convert_type3A {offsets = [26, 0], sizes = [1, 128], strides = [1, 1]} : vector<128x128xi32> to vector<1x128xi32>
    %broadcast_in_dim3A_258 = vector.shape_cast %slice3A_257 : vector<1x128xi32> to vector<1x128xi32>
    %broadcast_in_dim3A_259 = vector.broadcast %broadcast_in_dim3A_258 : vector<1x128xi32> to vector<32x128xi32>
    %and3A_260 = arith.andi %broadcast_in_dim3A_259, %shift_left3A_5 : vector<32x128xi32>
    %ne3A_261 = arith.constant 0 : i32
    %ne3A_262 = vector.broadcast %ne3A_261 : i32 to vector<32x128xi32>
    %ne3A_263 = arith.cmpi ne, %and3A_260, %ne3A_262 : vector<32x128xi32>
    %convert_element_type3A_264 = arith.extui %ne3A_263 : vector<32x128xi1> to vector<32x128xi32>
    %convert_element_type3A_265 = arith.sitofp %convert_element_type3A_264 : vector<32x128xi32> to vector<32x128xf32>
    %slice3A_266 = vector.extract_strided_slice %bitcast_convert_type3A {offsets = [27, 0], sizes = [1, 128], strides = [1, 1]} : vector<128x128xi32> to vector<1x128xi32>
    %broadcast_in_dim3A_267 = vector.shape_cast %slice3A_266 : vector<1x128xi32> to vector<1x128xi32>
    %broadcast_in_dim3A_268 = vector.broadcast %broadcast_in_dim3A_267 : vector<1x128xi32> to vector<32x128xi32>
    %and3A_269 = arith.andi %broadcast_in_dim3A_268, %shift_left3A_5 : vector<32x128xi32>
    %ne3A_270 = arith.constant 0 : i32
    %ne3A_271 = vector.broadcast %ne3A_270 : i32 to vector<32x128xi32>
    %ne3A_272 = arith.cmpi ne, %and3A_269, %ne3A_271 : vector<32x128xi32>
    %convert_element_type3A_273 = arith.extui %ne3A_272 : vector<32x128xi1> to vector<32x128xi32>
    %convert_element_type3A_274 = arith.sitofp %convert_element_type3A_273 : vector<32x128xi32> to vector<32x128xf32>
    %slice3A_275 = vector.extract_strided_slice %bitcast_convert_type3A {offsets = [28, 0], sizes = [1, 128], strides = [1, 1]} : vector<128x128xi32> to vector<1x128xi32>
    %broadcast_in_dim3A_276 = vector.shape_cast %slice3A_275 : vector<1x128xi32> to vector<1x128xi32>
    %broadcast_in_dim3A_277 = vector.broadcast %broadcast_in_dim3A_276 : vector<1x128xi32> to vector<32x128xi32>
    %and3A_278 = arith.andi %broadcast_in_dim3A_277, %shift_left3A_5 : vector<32x128xi32>
    %ne3A_279 = arith.constant 0 : i32
    %ne3A_280 = vector.broadcast %ne3A_279 : i32 to vector<32x128xi32>
    %ne3A_281 = arith.cmpi ne, %and3A_278, %ne3A_280 : vector<32x128xi32>
    %convert_element_type3A_282 = arith.extui %ne3A_281 : vector<32x128xi1> to vector<32x128xi32>
    %convert_element_type3A_283 = arith.sitofp %convert_element_type3A_282 : vector<32x128xi32> to vector<32x128xf32>
    %slice3A_284 = vector.extract_strided_slice %bitcast_convert_type3A {offsets = [29, 0], sizes = [1, 128], strides = [1, 1]} : vector<128x128xi32> to vector<1x128xi32>
    %broadcast_in_dim3A_285 = vector.shape_cast %slice3A_284 : vector<1x128xi32> to vector<1x128xi32>
    %broadcast_in_dim3A_286 = vector.broadcast %broadcast_in_dim3A_285 : vector<1x128xi32> to vector<32x128xi32>
    %and3A_287 = arith.andi %broadcast_in_dim3A_286, %shift_left3A_5 : vector<32x128xi32>
    %ne3A_288 = arith.constant 0 : i32
    %ne3A_289 = vector.broadcast %ne3A_288 : i32 to vector<32x128xi32>
    %ne3A_290 = arith.cmpi ne, %and3A_287, %ne3A_289 : vector<32x128xi32>
    %convert_element_type3A_291 = arith.extui %ne3A_290 : vector<32x128xi1> to vector<32x128xi32>
    %convert_element_type3A_292 = arith.sitofp %convert_element_type3A_291 : vector<32x128xi32> to vector<32x128xf32>
    %slice3A_293 = vector.extract_strided_slice %bitcast_convert_type3A {offsets = [30, 0], sizes = [1, 128], strides = [1, 1]} : vector<128x128xi32> to vector<1x128xi32>
    %broadcast_in_dim3A_294 = vector.shape_cast %slice3A_293 : vector<1x128xi32> to vector<1x128xi32>
    %broadcast_in_dim3A_295 = vector.broadcast %broadcast_in_dim3A_294 : vector<1x128xi32> to vector<32x128xi32>
    %and3A_296 = arith.andi %broadcast_in_dim3A_295, %shift_left3A_5 : vector<32x128xi32>
    %ne3A_297 = arith.constant 0 : i32
    %ne3A_298 = vector.broadcast %ne3A_297 : i32 to vector<32x128xi32>
    %ne3A_299 = arith.cmpi ne, %and3A_296, %ne3A_298 : vector<32x128xi32>
    %convert_element_type3A_300 = arith.extui %ne3A_299 : vector<32x128xi1> to vector<32x128xi32>
    %convert_element_type3A_301 = arith.sitofp %convert_element_type3A_300 : vector<32x128xi32> to vector<32x128xf32>
    %slice3A_302 = vector.extract_strided_slice %bitcast_convert_type3A {offsets = [31, 0], sizes = [1, 128], strides = [1, 1]} : vector<128x128xi32> to vector<1x128xi32>
    %broadcast_in_dim3A_303 = vector.shape_cast %slice3A_302 : vector<1x128xi32> to vector<1x128xi32>
    %broadcast_in_dim3A_304 = vector.broadcast %broadcast_in_dim3A_303 : vector<1x128xi32> to vector<32x128xi32>
    %and3A_305 = arith.andi %broadcast_in_dim3A_304, %shift_left3A_5 : vector<32x128xi32>
    %ne3A_306 = arith.constant 0 : i32
    %ne3A_307 = vector.broadcast %ne3A_306 : i32 to vector<32x128xi32>
    %ne3A_308 = arith.cmpi ne, %and3A_305, %ne3A_307 : vector<32x128xi32>
    %convert_element_type3A_309 = arith.extui %ne3A_308 : vector<32x128xi1> to vector<32x128xi32>
    %convert_element_type3A_310 = arith.sitofp %convert_element_type3A_309 : vector<32x128xi32> to vector<32x128xf32>
    %concatenate3A_311 = tpu.concatenate %convert_element_type3A_247, %convert_element_type3A_256, %convert_element_type3A_265, %convert_element_type3A_274, %convert_element_type3A_283, %convert_element_type3A_292, %convert_element_type3A_301, %convert_element_type3A_310 in 1 : vector<32x128xf32>, vector<32x128xf32>, vector<32x128xf32>, vector<32x128xf32>, vector<32x128xf32>, vector<32x128xf32>, vector<32x128xf32>, vector<32x128xf32> -> vector<32x1024xf32>
    %swap3A_312 = arith.constant 0 : index
    %swap3A_313 = arith.constant 3 : index
    %swap3A_314 = arith.constant 0 : index
    %swap3A_315 = arith.constant 0 : index
    %swap3A_316 = vector.load %arg2[%swap3A_312, %swap3A_313, %swap3A_314, %swap3A_315] : memref<1x16x32x1024xf32, #tpu.memory_space<vmem>>, vector<1x1x32x1024xf32>
    %swap3A_317 = vector.shape_cast %swap3A_316 : vector<1x1x32x1024xf32> to vector<32x1024xf32>
    %swap3A_318 = vector.shape_cast %concatenate3A_311 : vector<32x1024xf32> to vector<1x1x32x1024xf32>
    tpu.vector_store %arg2[%swap3A_312, %swap3A_313, %swap3A_314, %swap3A_315], %swap3A_318 {strides = array<i32>} : memref<1x16x32x1024xf32, #tpu.memory_space<vmem>>, vector<1x1x32x1024xf32>,
    %slice3A_319 = vector.extract_strided_slice %bitcast_convert_type3A {offsets = [32, 0], sizes = [1, 128], strides = [1, 1]} : vector<128x128xi32> to vector<1x128xi32>
    %broadcast_in_dim3A_320 = vector.shape_cast %slice3A_319 : vector<1x128xi32> to vector<1x128xi32>
    %broadcast_in_dim3A_321 = vector.broadcast %broadcast_in_dim3A_320 : vector<1x128xi32> to vector<32x128xi32>
    %and3A_322 = arith.andi %broadcast_in_dim3A_321, %shift_left3A_5 : vector<32x128xi32>
    %ne3A_323 = arith.constant 0 : i32
    %ne3A_324 = vector.broadcast %ne3A_323 : i32 to vector<32x128xi32>
    %ne3A_325 = arith.cmpi ne, %and3A_322, %ne3A_324 : vector<32x128xi32>
    %convert_element_type3A_326 = arith.extui %ne3A_325 : vector<32x128xi1> to vector<32x128xi32>
    %convert_element_type3A_327 = arith.sitofp %convert_element_type3A_326 : vector<32x128xi32> to vector<32x128xf32>
    %slice3A_328 = vector.extract_strided_slice %bitcast_convert_type3A {offsets = [33, 0], sizes = [1, 128], strides = [1, 1]} : vector<128x128xi32> to vector<1x128xi32>
    %broadcast_in_dim3A_329 = vector.shape_cast %slice3A_328 : vector<1x128xi32> to vector<1x128xi32>
    %broadcast_in_dim3A_330 = vector.broadcast %broadcast_in_dim3A_329 : vector<1x128xi32> to vector<32x128xi32>
    %and3A_331 = arith.andi %broadcast_in_dim3A_330, %shift_left3A_5 : vector<32x128xi32>
    %ne3A_332 = arith.constant 0 : i32
    %ne3A_333 = vector.broadcast %ne3A_332 : i32 to vector<32x128xi32>
    %ne3A_334 = arith.cmpi ne, %and3A_331, %ne3A_333 : vector<32x128xi32>
    %convert_element_type3A_335 = arith.extui %ne3A_334 : vector<32x128xi1> to vector<32x128xi32>
    %convert_element_type3A_336 = arith.sitofp %convert_element_type3A_335 : vector<32x128xi32> to vector<32x128xf32>
    %slice3A_337 = vector.extract_strided_slice %bitcast_convert_type3A {offsets = [34, 0], sizes = [1, 128], strides = [1, 1]} : vector<128x128xi32> to vector<1x128xi32>
    %broadcast_in_dim3A_338 = vector.shape_cast %slice3A_337 : vector<1x128xi32> to vector<1x128xi32>
    %broadcast_in_dim3A_339 = vector.broadcast %broadcast_in_dim3A_338 : vector<1x128xi32> to vector<32x128xi32>
    %and3A_340 = arith.andi %broadcast_in_dim3A_339, %shift_left3A_5 : vector<32x128xi32>
    %ne3A_341 = arith.constant 0 : i32
    %ne3A_342 = vector.broadcast %ne3A_341 : i32 to vector<32x128xi32>
    %ne3A_343 = arith.cmpi ne, %and3A_340, %ne3A_342 : vector<32x128xi32>
    %convert_element_type3A_344 = arith.extui %ne3A_343 : vector<32x128xi1> to vector<32x128xi32>
    %convert_element_type3A_345 = arith.sitofp %convert_element_type3A_344 : vector<32x128xi32> to vector<32x128xf32>
    %slice3A_346 = vector.extract_strided_slice %bitcast_convert_type3A {offsets = [35, 0], sizes = [1, 128], strides = [1, 1]} : vector<128x128xi32> to vector<1x128xi32>
    %broadcast_in_dim3A_347 = vector.shape_cast %slice3A_346 : vector<1x128xi32> to vector<1x128xi32>
    %broadcast_in_dim3A_348 = vector.broadcast %broadcast_in_dim3A_347 : vector<1x128xi32> to vector<32x128xi32>
    %and3A_349 = arith.andi %broadcast_in_dim3A_348, %shift_left3A_5 : vector<32x128xi32>
    %ne3A_350 = arith.constant 0 : i32
    %ne3A_351 = vector.broadcast %ne3A_350 : i32 to vector<32x128xi32>
    %ne3A_352 = arith.cmpi ne, %and3A_349, %ne3A_351 : vector<32x128xi32>
    %convert_element_type3A_353 = arith.extui %ne3A_352 : vector<32x128xi1> to vector<32x128xi32>
    %convert_element_type3A_354 = arith.sitofp %convert_element_type3A_353 : vector<32x128xi32> to vector<32x128xf32>
    %slice3A_355 = vector.extract_strided_slice %bitcast_convert_type3A {offsets = [36, 0], sizes = [1, 128], strides = [1, 1]} : vector<128x128xi32> to vector<1x128xi32>
    %broadcast_in_dim3A_356 = vector.shape_cast %slice3A_355 : vector<1x128xi32> to vector<1x128xi32>
    %broadcast_in_dim3A_357 = vector.broadcast %broadcast_in_dim3A_356 : vector<1x128xi32> to vector<32x128xi32>
    %and3A_358 = arith.andi %broadcast_in_dim3A_357, %shift_left3A_5 : vector<32x128xi32>
    %ne3A_359 = arith.constant 0 : i32
    %ne3A_360 = vector.broadcast %ne3A_359 : i32 to vector<32x128xi32>
    %ne3A_361 = arith.cmpi ne, %and3A_358, %ne3A_360 : vector<32x128xi32>
    %convert_element_type3A_362 = arith.extui %ne3A_361 : vector<32x128xi1> to vector<32x128xi32>
    %convert_element_type3A_363 = arith.sitofp %convert_element_type3A_362 : vector<32x128xi32> to vector<32x128xf32>
    %slice3A_364 = vector.extract_strided_slice %bitcast_convert_type3A {offsets = [37, 0], sizes = [1, 128], strides = [1, 1]} : vector<128x128xi32> to vector<1x128xi32>
    %broadcast_in_dim3A_365 = vector.shape_cast %slice3A_364 : vector<1x128xi32> to vector<1x128xi32>
    %broadcast_in_dim3A_366 = vector.broadcast %broadcast_in_dim3A_365 : vector<1x128xi32> to vector<32x128xi32>
    %and3A_367 = arith.andi %broadcast_in_dim3A_366, %shift_left3A_5 : vector<32x128xi32>
    %ne3A_368 = arith.constant 0 : i32
    %ne3A_369 = vector.broadcast %ne3A_368 : i32 to vector<32x128xi32>
    %ne3A_370 = arith.cmpi ne, %and3A_367, %ne3A_369 : vector<32x128xi32>
    %convert_element_type3A_371 = arith.extui %ne3A_370 : vector<32x128xi1> to vector<32x128xi32>
    %convert_element_type3A_372 = arith.sitofp %convert_element_type3A_371 : vector<32x128xi32> to vector<32x128xf32>
    %slice3A_373 = vector.extract_strided_slice %bitcast_convert_type3A {offsets = [38, 0], sizes = [1, 128], strides = [1, 1]} : vector<128x128xi32> to vector<1x128xi32>
    %broadcast_in_dim3A_374 = vector.shape_cast %slice3A_373 : vector<1x128xi32> to vector<1x128xi32>
    %broadcast_in_dim3A_375 = vector.broadcast %broadcast_in_dim3A_374 : vector<1x128xi32> to vector<32x128xi32>
    %and3A_376 = arith.andi %broadcast_in_dim3A_375, %shift_left3A_5 : vector<32x128xi32>
    %ne3A_377 = arith.constant 0 : i32
    %ne3A_378 = vector.broadcast %ne3A_377 : i32 to vector<32x128xi32>
    %ne3A_379 = arith.cmpi ne, %and3A_376, %ne3A_378 : vector<32x128xi32>
    %convert_element_type3A_380 = arith.extui %ne3A_379 : vector<32x128xi1> to vector<32x128xi32>
    %convert_element_type3A_381 = arith.sitofp %convert_element_type3A_380 : vector<32x128xi32> to vector<32x128xf32>
    %slice3A_382 = vector.extract_strided_slice %bitcast_convert_type3A {offsets = [39, 0], sizes = [1, 128], strides = [1, 1]} : vector<128x128xi32> to vector<1x128xi32>
    %broadcast_in_dim3A_383 = vector.shape_cast %slice3A_382 : vector<1x128xi32> to vector<1x128xi32>
    %broadcast_in_dim3A_384 = vector.broadcast %broadcast_in_dim3A_383 : vector<1x128xi32> to vector<32x128xi32>
    %and3A_385 = arith.andi %broadcast_in_dim3A_384, %shift_left3A_5 : vector<32x128xi32>
    %ne3A_386 = arith.constant 0 : i32
    %ne3A_387 = vector.broadcast %ne3A_386 : i32 to vector<32x128xi32>
    %ne3A_388 = arith.cmpi ne, %and3A_385, %ne3A_387 : vector<32x128xi32>
    %convert_element_type3A_389 = arith.extui %ne3A_388 : vector<32x128xi1> to vector<32x128xi32>
    %convert_element_type3A_390 = arith.sitofp %convert_element_type3A_389 : vector<32x128xi32> to vector<32x128xf32>
    %concatenate3A_391 = tpu.concatenate %convert_element_type3A_327, %convert_element_type3A_336, %convert_element_type3A_345, %convert_element_type3A_354, %convert_element_type3A_363, %convert_element_type3A_372, %convert_element_type3A_381, %convert_element_type3A_390 in 1 : vector<32x128xf32>, vector<32x128xf32>, vector<32x128xf32>, vector<32x128xf32>, vector<32x128xf32>, vector<32x128xf32>, vector<32x128xf32>, vector<32x128xf32> -> vector<32x1024xf32>
    %swap3A_392 = arith.constant 0 : index
    %swap3A_393 = arith.constant 4 : index
    %swap3A_394 = arith.constant 0 : index
    %swap3A_395 = arith.constant 0 : index
    %swap3A_396 = vector.load %arg2[%swap3A_392, %swap3A_393, %swap3A_394, %swap3A_395] : memref<1x16x32x1024xf32, #tpu.memory_space<vmem>>, vector<1x1x32x1024xf32>
    %swap3A_397 = vector.shape_cast %swap3A_396 : vector<1x1x32x1024xf32> to vector<32x1024xf32>
    %swap3A_398 = vector.shape_cast %concatenate3A_391 : vector<32x1024xf32> to vector<1x1x32x1024xf32>
    tpu.vector_store %arg2[%swap3A_392, %swap3A_393, %swap3A_394, %swap3A_395], %swap3A_398 {strides = array<i32>} : memref<1x16x32x1024xf32, #tpu.memory_space<vmem>>, vector<1x1x32x1024xf32>,
    %slice3A_399 = vector.extract_strided_slice %bitcast_convert_type3A {offsets = [40, 0], sizes = [1, 128], strides = [1, 1]} : vector<128x128xi32> to vector<1x128xi32>
    %broadcast_in_dim3A_400 = vector.shape_cast %slice3A_399 : vector<1x128xi32> to vector<1x128xi32>
    %broadcast_in_dim3A_401 = vector.broadcast %broadcast_in_dim3A_400 : vector<1x128xi32> to vector<32x128xi32>
    %and3A_402 = arith.andi %broadcast_in_dim3A_401, %shift_left3A_5 : vector<32x128xi32>
    %ne3A_403 = arith.constant 0 : i32
    %ne3A_404 = vector.broadcast %ne3A_403 : i32 to vector<32x128xi32>
    %ne3A_405 = arith.cmpi ne, %and3A_402, %ne3A_404 : vector<32x128xi32>
    %convert_element_type3A_406 = arith.extui %ne3A_405 : vector<32x128xi1> to vector<32x128xi32>
    %convert_element_type3A_407 = arith.sitofp %convert_element_type3A_406 : vector<32x128xi32> to vector<32x128xf32>
    %slice3A_408 = vector.extract_strided_slice %bitcast_convert_type3A {offsets = [41, 0], sizes = [1, 128], strides = [1, 1]} : vector<128x128xi32> to vector<1x128xi32>
    %broadcast_in_dim3A_409 = vector.shape_cast %slice3A_408 : vector<1x128xi32> to vector<1x128xi32>
    %broadcast_in_dim3A_410 = vector.broadcast %broadcast_in_dim3A_409 : vector<1x128xi32> to vector<32x128xi32>
    %and3A_411 = arith.andi %broadcast_in_dim3A_410, %shift_left3A_5 : vector<32x128xi32>
    %ne3A_412 = arith.constant 0 : i32
    %ne3A_413 = vector.broadcast %ne3A_412 : i32 to vector<32x128xi32>
    %ne3A_414 = arith.cmpi ne, %and3A_411, %ne3A_413 : vector<32x128xi32>
    %convert_element_type3A_415 = arith.extui %ne3A_414 : vector<32x128xi1> to vector<32x128xi32>
    %convert_element_type3A_416 = arith.sitofp %convert_element_type3A_415 : vector<32x128xi32> to vector<32x128xf32>
    %slice3A_417 = vector.extract_strided_slice %bitcast_convert_type3A {offsets = [42, 0], sizes = [1, 128], strides = [1, 1]} : vector<128x128xi32> to vector<1x128xi32>
    %broadcast_in_dim3A_418 = vector.shape_cast %slice3A_417 : vector<1x128xi32> to vector<1x128xi32>
    %broadcast_in_dim3A_419 = vector.broadcast %broadcast_in_dim3A_418 : vector<1x128xi32> to vector<32x128xi32>
    %and3A_420 = arith.andi %broadcast_in_dim3A_419, %shift_left3A_5 : vector<32x128xi32>
    %ne3A_421 = arith.constant 0 : i32
    %ne3A_422 = vector.broadcast %ne3A_421 : i32 to vector<32x128xi32>
    %ne3A_423 = arith.cmpi ne, %and3A_420, %ne3A_422 : vector<32x128xi32>
    %convert_element_type3A_424 = arith.extui %ne3A_423 : vector<32x128xi1> to vector<32x128xi32>
    %convert_element_type3A_425 = arith.sitofp %convert_element_type3A_424 : vector<32x128xi32> to vector<32x128xf32>
    %slice3A_426 = vector.extract_strided_slice %bitcast_convert_type3A {offsets = [43, 0], sizes = [1, 128], strides = [1, 1]} : vector<128x128xi32> to vector<1x128xi32>
    %broadcast_in_dim3A_427 = vector.shape_cast %slice3A_426 : vector<1x128xi32> to vector<1x128xi32>
    %broadcast_in_dim3A_428 = vector.broadcast %broadcast_in_dim3A_427 : vector<1x128xi32> to vector<32x128xi32>
    %and3A_429 = arith.andi %broadcast_in_dim3A_428, %shift_left3A_5 : vector<32x128xi32>
    %ne3A_430 = arith.constant 0 : i32
    %ne3A_431 = vector.broadcast %ne3A_430 : i32 to vector<32x128xi32>
    %ne3A_432 = arith.cmpi ne, %and3A_429, %ne3A_431 : vector<32x128xi32>
    %convert_element_type3A_433 = arith.extui %ne3A_432 : vector<32x128xi1> to vector<32x128xi32>
    %convert_element_type3A_434 = arith.sitofp %convert_element_type3A_433 : vector<32x128xi32> to vector<32x128xf32>
    %slice3A_435 = vector.extract_strided_slice %bitcast_convert_type3A {offsets = [44, 0], sizes = [1, 128], strides = [1, 1]} : vector<128x128xi32> to vector<1x128xi32>
    %broadcast_in_dim3A_436 = vector.shape_cast %slice3A_435 : vector<1x128xi32> to vector<1x128xi32>
    %broadcast_in_dim3A_437 = vector.broadcast %broadcast_in_dim3A_436 : vector<1x128xi32> to vector<32x128xi32>
    %and3A_438 = arith.andi %broadcast_in_dim3A_437, %shift_left3A_5 : vector<32x128xi32>
    %ne3A_439 = arith.constant 0 : i32
    %ne3A_440 = vector.broadcast %ne3A_439 : i32 to vector<32x128xi32>
    %ne3A_441 = arith.cmpi ne, %and3A_438, %ne3A_440 : vector<32x128xi32>
    %convert_element_type3A_442 = arith.extui %ne3A_441 : vector<32x128xi1> to vector<32x128xi32>
    %convert_element_type3A_443 = arith.sitofp %convert_element_type3A_442 : vector<32x128xi32> to vector<32x128xf32>
    %slice3A_444 = vector.extract_strided_slice %bitcast_convert_type3A {offsets = [45, 0], sizes = [1, 128], strides = [1, 1]} : vector<128x128xi32> to vector<1x128xi32>
    %broadcast_in_dim3A_445 = vector.shape_cast %slice3A_444 : vector<1x128xi32> to vector<1x128xi32>
    %broadcast_in_dim3A_446 = vector.broadcast %broadcast_in_dim3A_445 : vector<1x128xi32> to vector<32x128xi32>
    %and3A_447 = arith.andi %broadcast_in_dim3A_446, %shift_left3A_5 : vector<32x128xi32>
    %ne3A_448 = arith.constant 0 : i32
    %ne3A_449 = vector.broadcast %ne3A_448 : i32 to vector<32x128xi32>
    %ne3A_450 = arith.cmpi ne, %and3A_447, %ne3A_449 : vector<32x128xi32>
    %convert_element_type3A_451 = arith.extui %ne3A_450 : vector<32x128xi1> to vector<32x128xi32>
    %convert_element_type3A_452 = arith.sitofp %convert_element_type3A_451 : vector<32x128xi32> to vector<32x128xf32>
    %slice3A_453 = vector.extract_strided_slice %bitcast_convert_type3A {offsets = [46, 0], sizes = [1, 128], strides = [1, 1]} : vector<128x128xi32> to vector<1x128xi32>
    %broadcast_in_dim3A_454 = vector.shape_cast %slice3A_453 : vector<1x128xi32> to vector<1x128xi32>
    %broadcast_in_dim3A_455 = vector.broadcast %broadcast_in_dim3A_454 : vector<1x128xi32> to vector<32x128xi32>
    %and3A_456 = arith.andi %broadcast_in_dim3A_455, %shift_left3A_5 : vector<32x128xi32>
    %ne3A_457 = arith.constant 0 : i32
    %ne3A_458 = vector.broadcast %ne3A_457 : i32 to vector<32x128xi32>
    %ne3A_459 = arith.cmpi ne, %and3A_456, %ne3A_458 : vector<32x128xi32>
    %convert_element_type3A_460 = arith.extui %ne3A_459 : vector<32x128xi1> to vector<32x128xi32>
    %convert_element_type3A_461 = arith.sitofp %convert_element_type3A_460 : vector<32x128xi32> to vector<32x128xf32>
    %slice3A_462 = vector.extract_strided_slice %bitcast_convert_type3A {offsets = [47, 0], sizes = [1, 128], strides = [1, 1]} : vector<128x128xi32> to vector<1x128xi32>
    %broadcast_in_dim3A_463 = vector.shape_cast %slice3A_462 : vector<1x128xi32> to vector<1x128xi32>
    %broadcast_in_dim3A_464 = vector.broadcast %broadcast_in_dim3A_463 : vector<1x128xi32> to vector<32x128xi32>
    %and3A_465 = arith.andi %broadcast_in_dim3A_464, %shift_left3A_5 : vector<32x128xi32>
    %ne3A_466 = arith.constant 0 : i32
    %ne3A_467 = vector.broadcast %ne3A_466 : i32 to vector<32x128xi32>
    %ne3A_468 = arith.cmpi ne, %and3A_465, %ne3A_467 : vector<32x128xi32>
    %convert_element_type3A_469 = arith.extui %ne3A_468 : vector<32x128xi1> to vector<32x128xi32>
    %convert_element_type3A_470 = arith.sitofp %convert_element_type3A_469 : vector<32x128xi32> to vector<32x128xf32>
    %concatenate3A_471 = tpu.concatenate %convert_element_type3A_407, %convert_element_type3A_416, %convert_element_type3A_425, %convert_element_type3A_434, %convert_element_type3A_443, %convert_element_type3A_452, %convert_element_type3A_461, %convert_element_type3A_470 in 1 : vector<32x128xf32>, vector<32x128xf32>, vector<32x128xf32>, vector<32x128xf32>, vector<32x128xf32>, vector<32x128xf32>, vector<32x128xf32>, vector<32x128xf32> -> vector<32x1024xf32>
    %swap3A_472 = arith.constant 0 : index
    %swap3A_473 = arith.constant 5 : index
    %swap3A_474 = arith.constant 0 : index
    %swap3A_475 = arith.constant 0 : index
    %swap3A_476 = vector.load %arg2[%swap3A_472, %swap3A_473, %swap3A_474, %swap3A_475] : memref<1x16x32x1024xf32, #tpu.memory_space<vmem>>, vector<1x1x32x1024xf32>
    %swap3A_477 = vector.shape_cast %swap3A_476 : vector<1x1x32x1024xf32> to vector<32x1024xf32>
    %swap3A_478 = vector.shape_cast %concatenate3A_471 : vector<32x1024xf32> to vector<1x1x32x1024xf32>
    tpu.vector_store %arg2[%swap3A_472, %swap3A_473, %swap3A_474, %swap3A_475], %swap3A_478 {strides = array<i32>} : memref<1x16x32x1024xf32, #tpu.memory_space<vmem>>, vector<1x1x32x1024xf32>,
    %slice3A_479 = vector.extract_strided_slice %bitcast_convert_type3A {offsets = [48, 0], sizes = [1, 128], strides = [1, 1]} : vector<128x128xi32> to vector<1x128xi32>
    %broadcast_in_dim3A_480 = vector.shape_cast %slice3A_479 : vector<1x128xi32> to vector<1x128xi32>
    %broadcast_in_dim3A_481 = vector.broadcast %broadcast_in_dim3A_480 : vector<1x128xi32> to vector<32x128xi32>
    %and3A_482 = arith.andi %broadcast_in_dim3A_481, %shift_left3A_5 : vector<32x128xi32>
    %ne3A_483 = arith.constant 0 : i32
    %ne3A_484 = vector.broadcast %ne3A_483 : i32 to vector<32x128xi32>
    %ne3A_485 = arith.cmpi ne, %and3A_482, %ne3A_484 : vector<32x128xi32>
    %convert_element_type3A_486 = arith.extui %ne3A_485 : vector<32x128xi1> to vector<32x128xi32>
    %convert_element_type3A_487 = arith.sitofp %convert_element_type3A_486 : vector<32x128xi32> to vector<32x128xf32>
    %slice3A_488 = vector.extract_strided_slice %bitcast_convert_type3A {offsets = [49, 0], sizes = [1, 128], strides = [1, 1]} : vector<128x128xi32> to vector<1x128xi32>
    %broadcast_in_dim3A_489 = vector.shape_cast %slice3A_488 : vector<1x128xi32> to vector<1x128xi32>
    %broadcast_in_dim3A_490 = vector.broadcast %broadcast_in_dim3A_489 : vector<1x128xi32> to vector<32x128xi32>
    %and3A_491 = arith.andi %broadcast_in_dim3A_490, %shift_left3A_5 : vector<32x128xi32>
    %ne3A_492 = arith.constant 0 : i32
    %ne3A_493 = vector.broadcast %ne3A_492 : i32 to vector<32x128xi32>
    %ne3A_494 = arith.cmpi ne, %and3A_491, %ne3A_493 : vector<32x128xi32>
    %convert_element_type3A_495 = arith.extui %ne3A_494 : vector<32x128xi1> to vector<32x128xi32>
    %convert_element_type3A_496 = arith.sitofp %convert_element_type3A_495 : vector<32x128xi32> to vector<32x128xf32>
    %slice3A_497 = vector.extract_strided_slice %bitcast_convert_type3A {offsets = [50, 0], sizes = [1, 128], strides = [1, 1]} : vector<128x128xi32> to vector<1x128xi32>
    %broadcast_in_dim3A_498 = vector.shape_cast %slice3A_497 : vector<1x128xi32> to vector<1x128xi32>
    %broadcast_in_dim3A_499 = vector.broadcast %broadcast_in_dim3A_498 : vector<1x128xi32> to vector<32x128xi32>
    %and3A_500 = arith.andi %broadcast_in_dim3A_499, %shift_left3A_5 : vector<32x128xi32>
    %ne3A_501 = arith.constant 0 : i32
    %ne3A_502 = vector.broadcast %ne3A_501 : i32 to vector<32x128xi32>
    %ne3A_503 = arith.cmpi ne, %and3A_500, %ne3A_502 : vector<32x128xi32>
    %convert_element_type3A_504 = arith.extui %ne3A_503 : vector<32x128xi1> to vector<32x128xi32>
    %convert_element_type3A_505 = arith.sitofp %convert_element_type3A_504 : vector<32x128xi32> to vector<32x128xf32>
    %slice3A_506 = vector.extract_strided_slice %bitcast_convert_type3A {offsets = [51, 0], sizes = [1, 128], strides = [1, 1]} : vector<128x128xi32> to vector<1x128xi32>
    %broadcast_in_dim3A_507 = vector.shape_cast %slice3A_506 : vector<1x128xi32> to vector<1x128xi32>
    %broadcast_in_dim3A_508 = vector.broadcast %broadcast_in_dim3A_507 : vector<1x128xi32> to vector<32x128xi32>
    %and3A_509 = arith.andi %broadcast_in_dim3A_508, %shift_left3A_5 : vector<32x128xi32>
    %ne3A_510 = arith.constant 0 : i32
    %ne3A_511 = vector.broadcast %ne3A_510 : i32 to vector<32x128xi32>
    %ne3A_512 = arith.cmpi ne, %and3A_509, %ne3A_511 : vector<32x128xi32>
    %convert_element_type3A_513 = arith.extui %ne3A_512 : vector<32x128xi1> to vector<32x128xi32>
    %convert_element_type3A_514 = arith.sitofp %convert_element_type3A_513 : vector<32x128xi32> to vector<32x128xf32>
    %slice3A_515 = vector.extract_strided_slice %bitcast_convert_type3A {offsets = [52, 0], sizes = [1, 128], strides = [1, 1]} : vector<128x128xi32> to vector<1x128xi32>
    %broadcast_in_dim3A_516 = vector.shape_cast %slice3A_515 : vector<1x128xi32> to vector<1x128xi32>
    %broadcast_in_dim3A_517 = vector.broadcast %broadcast_in_dim3A_516 : vector<1x128xi32> to vector<32x128xi32>
    %and3A_518 = arith.andi %broadcast_in_dim3A_517, %shift_left3A_5 : vector<32x128xi32>
    %ne3A_519 = arith.constant 0 : i32
    %ne3A_520 = vector.broadcast %ne3A_519 : i32 to vector<32x128xi32>
    %ne3A_521 = arith.cmpi ne, %and3A_518, %ne3A_520 : vector<32x128xi32>
    %convert_element_type3A_522 = arith.extui %ne3A_521 : vector<32x128xi1> to vector<32x128xi32>
    %convert_element_type3A_523 = arith.sitofp %convert_element_type3A_522 : vector<32x128xi32> to vector<32x128xf32>
    %slice3A_524 = vector.extract_strided_slice %bitcast_convert_type3A {offsets = [53, 0], sizes = [1, 128], strides = [1, 1]} : vector<128x128xi32> to vector<1x128xi32>
    %broadcast_in_dim3A_525 = vector.shape_cast %slice3A_524 : vector<1x128xi32> to vector<1x128xi32>
    %broadcast_in_dim3A_526 = vector.broadcast %broadcast_in_dim3A_525 : vector<1x128xi32> to vector<32x128xi32>
    %and3A_527 = arith.andi %broadcast_in_dim3A_526, %shift_left3A_5 : vector<32x128xi32>
    %ne3A_528 = arith.constant 0 : i32
    %ne3A_529 = vector.broadcast %ne3A_528 : i32 to vector<32x128xi32>
    %ne3A_530 = arith.cmpi ne, %and3A_527, %ne3A_529 : vector<32x128xi32>
    %convert_element_type3A_531 = arith.extui %ne3A_530 : vector<32x128xi1> to vector<32x128xi32>
    %convert_element_type3A_532 = arith.sitofp %convert_element_type3A_531 : vector<32x128xi32> to vector<32x128xf32>
    %slice3A_533 = vector.extract_strided_slice %bitcast_convert_type3A {offsets = [54, 0], sizes = [1, 128], strides = [1, 1]} : vector<128x128xi32> to vector<1x128xi32>
    %broadcast_in_dim3A_534 = vector.shape_cast %slice3A_533 : vector<1x128xi32> to vector<1x128xi32>
    %broadcast_in_dim3A_535 = vector.broadcast %broadcast_in_dim3A_534 : vector<1x128xi32> to vector<32x128xi32>
    %and3A_536 = arith.andi %broadcast_in_dim3A_535, %shift_left3A_5 : vector<32x128xi32>
    %ne3A_537 = arith.constant 0 : i32
    %ne3A_538 = vector.broadcast %ne3A_537 : i32 to vector<32x128xi32>
    %ne3A_539 = arith.cmpi ne, %and3A_536, %ne3A_538 : vector<32x128xi32>
    %convert_element_type3A_540 = arith.extui %ne3A_539 : vector<32x128xi1> to vector<32x128xi32>
    %convert_element_type3A_541 = arith.sitofp %convert_element_type3A_540 : vector<32x128xi32> to vector<32x128xf32>
    %slice3A_542 = vector.extract_strided_slice %bitcast_convert_type3A {offsets = [55, 0], sizes = [1, 128], strides = [1, 1]} : vector<128x128xi32> to vector<1x128xi32>
    %broadcast_in_dim3A_543 = vector.shape_cast %slice3A_542 : vector<1x128xi32> to vector<1x128xi32>
    %broadcast_in_dim3A_544 = vector.broadcast %broadcast_in_dim3A_543 : vector<1x128xi32> to vector<32x128xi32>
    %and3A_545 = arith.andi %broadcast_in_dim3A_544, %shift_left3A_5 : vector<32x128xi32>
    %ne3A_546 = arith.constant 0 : i32
    %ne3A_547 = vector.broadcast %ne3A_546 : i32 to vector<32x128xi32>
    %ne3A_548 = arith.cmpi ne, %and3A_545, %ne3A_547 : vector<32x128xi32>
    %convert_element_type3A_549 = arith.extui %ne3A_548 : vector<32x128xi1> to vector<32x128xi32>
    %convert_element_type3A_550 = arith.sitofp %convert_element_type3A_549 : vector<32x128xi32> to vector<32x128xf32>
    %concatenate3A_551 = tpu.concatenate %convert_element_type3A_487, %convert_element_type3A_496, %convert_element_type3A_505, %convert_element_type3A_514, %convert_element_type3A_523, %convert_element_type3A_532, %convert_element_type3A_541, %convert_element_type3A_550 in 1 : vector<32x128xf32>, vector<32x128xf32>, vector<32x128xf32>, vector<32x128xf32>, vector<32x128xf32>, vector<32x128xf32>, vector<32x128xf32>, vector<32x128xf32> -> vector<32x1024xf32>
    %swap3A_552 = arith.constant 0 : index
    %swap3A_553 = arith.constant 6 : index
    %swap3A_554 = arith.constant 0 : index
    %swap3A_555 = arith.constant 0 : index
    %swap3A_556 = vector.load %arg2[%swap3A_552, %swap3A_553, %swap3A_554, %swap3A_555] : memref<1x16x32x1024xf32, #tpu.memory_space<vmem>>, vector<1x1x32x1024xf32>
    %swap3A_557 = vector.shape_cast %swap3A_556 : vector<1x1x32x1024xf32> to vector<32x1024xf32>
    %swap3A_558 = vector.shape_cast %concatenate3A_551 : vector<32x1024xf32> to vector<1x1x32x1024xf32>
    tpu.vector_store %arg2[%swap3A_552, %swap3A_553, %swap3A_554, %swap3A_555], %swap3A_558 {strides = array<i32>} : memref<1x16x32x1024xf32, #tpu.memory_space<vmem>>, vector<1x1x32x1024xf32>,
    %slice3A_559 = vector.extract_strided_slice %bitcast_convert_type3A {offsets = [56, 0], sizes = [1, 128], strides = [1, 1]} : vector<128x128xi32> to vector<1x128xi32>
    %broadcast_in_dim3A_560 = vector.shape_cast %slice3A_559 : vector<1x128xi32> to vector<1x128xi32>
    %broadcast_in_dim3A_561 = vector.broadcast %broadcast_in_dim3A_560 : vector<1x128xi32> to vector<32x128xi32>
    %and3A_562 = arith.andi %broadcast_in_dim3A_561, %shift_left3A_5 : vector<32x128xi32>
    %ne3A_563 = arith.constant 0 : i32
    %ne3A_564 = vector.broadcast %ne3A_563 : i32 to vector<32x128xi32>
    %ne3A_565 = arith.cmpi ne, %and3A_562, %ne3A_564 : vector<32x128xi32>
    %convert_element_type3A_566 = arith.extui %ne3A_565 : vector<32x128xi1> to vector<32x128xi32>
    %convert_element_type3A_567 = arith.sitofp %convert_element_type3A_566 : vector<32x128xi32> to vector<32x128xf32>
    %slice3A_568 = vector.extract_strided_slice %bitcast_convert_type3A {offsets = [57, 0], sizes = [1, 128], strides = [1, 1]} : vector<128x128xi32> to vector<1x128xi32>
    %broadcast_in_dim3A_569 = vector.shape_cast %slice3A_568 : vector<1x128xi32> to vector<1x128xi32>
    %broadcast_in_dim3A_570 = vector.broadcast %broadcast_in_dim3A_569 : vector<1x128xi32> to vector<32x128xi32>
    %and3A_571 = arith.andi %broadcast_in_dim3A_570, %shift_left3A_5 : vector<32x128xi32>
    %ne3A_572 = arith.constant 0 : i32
    %ne3A_573 = vector.broadcast %ne3A_572 : i32 to vector<32x128xi32>
    %ne3A_574 = arith.cmpi ne, %and3A_571, %ne3A_573 : vector<32x128xi32>
    %convert_element_type3A_575 = arith.extui %ne3A_574 : vector<32x128xi1> to vector<32x128xi32>
    %convert_element_type3A_576 = arith.sitofp %convert_element_type3A_575 : vector<32x128xi32> to vector<32x128xf32>
    %slice3A_577 = vector.extract_strided_slice %bitcast_convert_type3A {offsets = [58, 0], sizes = [1, 128], strides = [1, 1]} : vector<128x128xi32> to vector<1x128xi32>
    %broadcast_in_dim3A_578 = vector.shape_cast %slice3A_577 : vector<1x128xi32> to vector<1x128xi32>
    %broadcast_in_dim3A_579 = vector.broadcast %broadcast_in_dim3A_578 : vector<1x128xi32> to vector<32x128xi32>
    %and3A_580 = arith.andi %broadcast_in_dim3A_579, %shift_left3A_5 : vector<32x128xi32>
    %ne3A_581 = arith.constant 0 : i32
    %ne3A_582 = vector.broadcast %ne3A_581 : i32 to vector<32x128xi32>
    %ne3A_583 = arith.cmpi ne, %and3A_580, %ne3A_582 : vector<32x128xi32>
    %convert_element_type3A_584 = arith.extui %ne3A_583 : vector<32x128xi1> to vector<32x128xi32>
    %convert_element_type3A_585 = arith.sitofp %convert_element_type3A_584 : vector<32x128xi32> to vector<32x128xf32>
    %slice3A_586 = vector.extract_strided_slice %bitcast_convert_type3A {offsets = [59, 0], sizes = [1, 128], strides = [1, 1]} : vector<128x128xi32> to vector<1x128xi32>
    %broadcast_in_dim3A_587 = vector.shape_cast %slice3A_586 : vector<1x128xi32> to vector<1x128xi32>
    %broadcast_in_dim3A_588 = vector.broadcast %broadcast_in_dim3A_587 : vector<1x128xi32> to vector<32x128xi32>
    %and3A_589 = arith.andi %broadcast_in_dim3A_588, %shift_left3A_5 : vector<32x128xi32>
    %ne3A_590 = arith.constant 0 : i32
    %ne3A_591 = vector.broadcast %ne3A_590 : i32 to vector<32x128xi32>
    %ne3A_592 = arith.cmpi ne, %and3A_589, %ne3A_591 : vector<32x128xi32>
    %convert_element_type3A_593 = arith.extui %ne3A_592 : vector<32x128xi1> to vector<32x128xi32>
    %convert_element_type3A_594 = arith.sitofp %convert_element_type3A_593 : vector<32x128xi32> to vector<32x128xf32>
    %slice3A_595 = vector.extract_strided_slice %bitcast_convert_type3A {offsets = [60, 0], sizes = [1, 128], strides = [1, 1]} : vector<128x128xi32> to vector<1x128xi32>
    %broadcast_in_dim3A_596 = vector.shape_cast %slice3A_595 : vector<1x128xi32> to vector<1x128xi32>
    %broadcast_in_dim3A_597 = vector.broadcast %broadcast_in_dim3A_596 : vector<1x128xi32> to vector<32x128xi32>
    %and3A_598 = arith.andi %broadcast_in_dim3A_597, %shift_left3A_5 : vector<32x128xi32>
    %ne3A_599 = arith.constant 0 : i32
    %ne3A_600 = vector.broadcast %ne3A_599 : i32 to vector<32x128xi32>
    %ne3A_601 = arith.cmpi ne, %and3A_598, %ne3A_600 : vector<32x128xi32>
    %convert_element_type3A_602 = arith.extui %ne3A_601 : vector<32x128xi1> to vector<32x128xi32>
    %convert_element_type3A_603 = arith.sitofp %convert_element_type3A_602 : vector<32x128xi32> to vector<32x128xf32>
    %slice3A_604 = vector.extract_strided_slice %bitcast_convert_type3A {offsets = [61, 0], sizes = [1, 128], strides = [1, 1]} : vector<128x128xi32> to vector<1x128xi32>
    %broadcast_in_dim3A_605 = vector.shape_cast %slice3A_604 : vector<1x128xi32> to vector<1x128xi32>
    %broadcast_in_dim3A_606 = vector.broadcast %broadcast_in_dim3A_605 : vector<1x128xi32> to vector<32x128xi32>
    %and3A_607 = arith.andi %broadcast_in_dim3A_606, %shift_left3A_5 : vector<32x128xi32>
    %ne3A_608 = arith.constant 0 : i32
    %ne3A_609 = vector.broadcast %ne3A_608 : i32 to vector<32x128xi32>
    %ne3A_610 = arith.cmpi ne, %and3A_607, %ne3A_609 : vector<32x128xi32>
    %convert_element_type3A_611 = arith.extui %ne3A_610 : vector<32x128xi1> to vector<32x128xi32>
    %convert_element_type3A_612 = arith.sitofp %convert_element_type3A_611 : vector<32x128xi32> to vector<32x128xf32>
    %slice3A_613 = vector.extract_strided_slice %bitcast_convert_type3A {offsets = [62, 0], sizes = [1, 128], strides = [1, 1]} : vector<128x128xi32> to vector<1x128xi32>
    %broadcast_in_dim3A_614 = vector.shape_cast %slice3A_613 : vector<1x128xi32> to vector<1x128xi32>
    %broadcast_in_dim3A_615 = vector.broadcast %broadcast_in_dim3A_614 : vector<1x128xi32> to vector<32x128xi32>
    %and3A_616 = arith.andi %broadcast_in_dim3A_615, %shift_left3A_5 : vector<32x128xi32>
    %ne3A_617 = arith.constant 0 : i32
    %ne3A_618 = vector.broadcast %ne3A_617 : i32 to vector<32x128xi32>
    %ne3A_619 = arith.cmpi ne, %and3A_616, %ne3A_618 : vector<32x128xi32>
    %convert_element_type3A_620 = arith.extui %ne3A_619 : vector<32x128xi1> to vector<32x128xi32>
    %convert_element_type3A_621 = arith.sitofp %convert_element_type3A_620 : vector<32x128xi32> to vector<32x128xf32>
    %slice3A_622 = vector.extract_strided_slice %bitcast_convert_type3A {offsets = [63, 0], sizes = [1, 128], strides = [1, 1]} : vector<128x128xi32> to vector<1x128xi32>
    %broadcast_in_dim3A_623 = vector.shape_cast %slice3A_622 : vector<1x128xi32> to vector<1x128xi32>
    %broadcast_in_dim3A_624 = vector.broadcast %broadcast_in_dim3A_623 : vector<1x128xi32> to vector<32x128xi32>
    %and3A_625 = arith.andi %broadcast_in_dim3A_624, %shift_left3A_5 : vector<32x128xi32>
    %ne3A_626 = arith.constant 0 : i32
    %ne3A_627 = vector.broadcast %ne3A_626 : i32 to vector<32x128xi32>
    %ne3A_628 = arith.cmpi ne, %and3A_625, %ne3A_627 : vector<32x128xi32>
    %convert_element_type3A_629 = arith.extui %ne3A_628 : vector<32x128xi1> to vector<32x128xi32>
    %convert_element_type3A_630 = arith.sitofp %convert_element_type3A_629 : vector<32x128xi32> to vector<32x128xf32>
    %concatenate3A_631 = tpu.concatenate %convert_element_type3A_567, %convert_element_type3A_576, %convert_element_type3A_585, %convert_element_type3A_594, %convert_element_type3A_603, %convert_element_type3A_612, %convert_element_type3A_621, %convert_element_type3A_630 in 1 : vector<32x128xf32>, vector<32x128xf32>, vector<32x128xf32>, vector<32x128xf32>, vector<32x128xf32>, vector<32x128xf32>, vector<32x128xf32>, vector<32x128xf32> -> vector<32x1024xf32>
    %swap3A_632 = arith.constant 0 : index
    %swap3A_633 = arith.constant 7 : index
    %swap3A_634 = arith.constant 0 : index
    %swap3A_635 = arith.constant 0 : index
    %swap3A_636 = vector.load %arg2[%swap3A_632, %swap3A_633, %swap3A_634, %swap3A_635] : memref<1x16x32x1024xf32, #tpu.memory_space<vmem>>, vector<1x1x32x1024xf32>
    %swap3A_637 = vector.shape_cast %swap3A_636 : vector<1x1x32x1024xf32> to vector<32x1024xf32>
    %swap3A_638 = vector.shape_cast %concatenate3A_631 : vector<32x1024xf32> to vector<1x1x32x1024xf32>
    tpu.vector_store %arg2[%swap3A_632, %swap3A_633, %swap3A_634, %swap3A_635], %swap3A_638 {strides = array<i32>} : memref<1x16x32x1024xf32, #tpu.memory_space<vmem>>, vector<1x1x32x1024xf32>,
    %slice3A_639 = vector.extract_strided_slice %bitcast_convert_type3A {offsets = [64, 0], sizes = [1, 128], strides = [1, 1]} : vector<128x128xi32> to vector<1x128xi32>
    %broadcast_in_dim3A_640 = vector.shape_cast %slice3A_639 : vector<1x128xi32> to vector<1x128xi32>
    %broadcast_in_dim3A_641 = vector.broadcast %broadcast_in_dim3A_640 : vector<1x128xi32> to vector<32x128xi32>
    %and3A_642 = arith.andi %broadcast_in_dim3A_641, %shift_left3A_5 : vector<32x128xi32>
    %ne3A_643 = arith.constant 0 : i32
    %ne3A_644 = vector.broadcast %ne3A_643 : i32 to vector<32x128xi32>
    %ne3A_645 = arith.cmpi ne, %and3A_642, %ne3A_644 : vector<32x128xi32>
    %convert_element_type3A_646 = arith.extui %ne3A_645 : vector<32x128xi1> to vector<32x128xi32>
    %convert_element_type3A_647 = arith.sitofp %convert_element_type3A_646 : vector<32x128xi32> to vector<32x128xf32>
    %slice3A_648 = vector.extract_strided_slice %bitcast_convert_type3A {offsets = [65, 0], sizes = [1, 128], strides = [1, 1]} : vector<128x128xi32> to vector<1x128xi32>
    %broadcast_in_dim3A_649 = vector.shape_cast %slice3A_648 : vector<1x128xi32> to vector<1x128xi32>
    %broadcast_in_dim3A_650 = vector.broadcast %broadcast_in_dim3A_649 : vector<1x128xi32> to vector<32x128xi32>
    %and3A_651 = arith.andi %broadcast_in_dim3A_650, %shift_left3A_5 : vector<32x128xi32>
    %ne3A_652 = arith.constant 0 : i32
    %ne3A_653 = vector.broadcast %ne3A_652 : i32 to vector<32x128xi32>
    %ne3A_654 = arith.cmpi ne, %and3A_651, %ne3A_653 : vector<32x128xi32>
    %convert_element_type3A_655 = arith.extui %ne3A_654 : vector<32x128xi1> to vector<32x128xi32>
    %convert_element_type3A_656 = arith.sitofp %convert_element_type3A_655 : vector<32x128xi32> to vector<32x128xf32>
    %slice3A_657 = vector.extract_strided_slice %bitcast_convert_type3A {offsets = [66, 0], sizes = [1, 128], strides = [1, 1]} : vector<128x128xi32> to vector<1x128xi32>
    %broadcast_in_dim3A_658 = vector.shape_cast %slice3A_657 : vector<1x128xi32> to vector<1x128xi32>
    %broadcast_in_dim3A_659 = vector.broadcast %broadcast_in_dim3A_658 : vector<1x128xi32> to vector<32x128xi32>
    %and3A_660 = arith.andi %broadcast_in_dim3A_659, %shift_left3A_5 : vector<32x128xi32>
    %ne3A_661 = arith.constant 0 : i32
    %ne3A_662 = vector.broadcast %ne3A_661 : i32 to vector<32x128xi32>
    %ne3A_663 = arith.cmpi ne, %and3A_660, %ne3A_662 : vector<32x128xi32>
    %convert_element_type3A_664 = arith.extui %ne3A_663 : vector<32x128xi1> to vector<32x128xi32>
    %convert_element_type3A_665 = arith.sitofp %convert_element_type3A_664 : vector<32x128xi32> to vector<32x128xf32>
    %slice3A_666 = vector.extract_strided_slice %bitcast_convert_type3A {offsets = [67, 0], sizes = [1, 128], strides = [1, 1]} : vector<128x128xi32> to vector<1x128xi32>
    %broadcast_in_dim3A_667 = vector.shape_cast %slice3A_666 : vector<1x128xi32> to vector<1x128xi32>
    %broadcast_in_dim3A_668 = vector.broadcast %broadcast_in_dim3A_667 : vector<1x128xi32> to vector<32x128xi32>
    %and3A_669 = arith.andi %broadcast_in_dim3A_668, %shift_left3A_5 : vector<32x128xi32>
    %ne3A_670 = arith.constant 0 : i32
    %ne3A_671 = vector.broadcast %ne3A_670 : i32 to vector<32x128xi32>
    %ne3A_672 = arith.cmpi ne, %and3A_669, %ne3A_671 : vector<32x128xi32>
    %convert_element_type3A_673 = arith.extui %ne3A_672 : vector<32x128xi1> to vector<32x128xi32>
    %convert_element_type3A_674 = arith.sitofp %convert_element_type3A_673 : vector<32x128xi32> to vector<32x128xf32>
    %slice3A_675 = vector.extract_strided_slice %bitcast_convert_type3A {offsets = [68, 0], sizes = [1, 128], strides = [1, 1]} : vector<128x128xi32> to vector<1x128xi32>
    %broadcast_in_dim3A_676 = vector.shape_cast %slice3A_675 : vector<1x128xi32> to vector<1x128xi32>
    %broadcast_in_dim3A_677 = vector.broadcast %broadcast_in_dim3A_676 : vector<1x128xi32> to vector<32x128xi32>
    %and3A_678 = arith.andi %broadcast_in_dim3A_677, %shift_left3A_5 : vector<32x128xi32>
    %ne3A_679 = arith.constant 0 : i32
    %ne3A_680 = vector.broadcast %ne3A_679 : i32 to vector<32x128xi32>
    %ne3A_681 = arith.cmpi ne, %and3A_678, %ne3A_680 : vector<32x128xi32>
    %convert_element_type3A_682 = arith.extui %ne3A_681 : vector<32x128xi1> to vector<32x128xi32>
    %convert_element_type3A_683 = arith.sitofp %convert_element_type3A_682 : vector<32x128xi32> to vector<32x128xf32>
    %slice3A_684 = vector.extract_strided_slice %bitcast_convert_type3A {offsets = [69, 0], sizes = [1, 128], strides = [1, 1]} : vector<128x128xi32> to vector<1x128xi32>
    %broadcast_in_dim3A_685 = vector.shape_cast %slice3A_684 : vector<1x128xi32> to vector<1x128xi32>
    %broadcast_in_dim3A_686 = vector.broadcast %broadcast_in_dim3A_685 : vector<1x128xi32> to vector<32x128xi32>
    %and3A_687 = arith.andi %broadcast_in_dim3A_686, %shift_left3A_5 : vector<32x128xi32>
    %ne3A_688 = arith.constant 0 : i32
    %ne3A_689 = vector.broadcast %ne3A_688 : i32 to vector<32x128xi32>
    %ne3A_690 = arith.cmpi ne, %and3A_687, %ne3A_689 : vector<32x128xi32>
    %convert_element_type3A_691 = arith.extui %ne3A_690 : vector<32x128xi1> to vector<32x128xi32>
    %convert_element_type3A_692 = arith.sitofp %convert_element_type3A_691 : vector<32x128xi32> to vector<32x128xf32>
    %slice3A_693 = vector.extract_strided_slice %bitcast_convert_type3A {offsets = [70, 0], sizes = [1, 128], strides = [1, 1]} : vector<128x128xi32> to vector<1x128xi32>
    %broadcast_in_dim3A_694 = vector.shape_cast %slice3A_693 : vector<1x128xi32> to vector<1x128xi32>
    %broadcast_in_dim3A_695 = vector.broadcast %broadcast_in_dim3A_694 : vector<1x128xi32> to vector<32x128xi32>
    %and3A_696 = arith.andi %broadcast_in_dim3A_695, %shift_left3A_5 : vector<32x128xi32>
    %ne3A_697 = arith.constant 0 : i32
    %ne3A_698 = vector.broadcast %ne3A_697 : i32 to vector<32x128xi32>
    %ne3A_699 = arith.cmpi ne, %and3A_696, %ne3A_698 : vector<32x128xi32>
    %convert_element_type3A_700 = arith.extui %ne3A_699 : vector<32x128xi1> to vector<32x128xi32>
    %convert_element_type3A_701 = arith.sitofp %convert_element_type3A_700 : vector<32x128xi32> to vector<32x128xf32>
    %slice3A_702 = vector.extract_strided_slice %bitcast_convert_type3A {offsets = [71, 0], sizes = [1, 128], strides = [1, 1]} : vector<128x128xi32> to vector<1x128xi32>
    %broadcast_in_dim3A_703 = vector.shape_cast %slice3A_702 : vector<1x128xi32> to vector<1x128xi32>
    %broadcast_in_dim3A_704 = vector.broadcast %broadcast_in_dim3A_703 : vector<1x128xi32> to vector<32x128xi32>
    %and3A_705 = arith.andi %broadcast_in_dim3A_704, %shift_left3A_5 : vector<32x128xi32>
    %ne3A_706 = arith.constant 0 : i32
    %ne3A_707 = vector.broadcast %ne3A_706 : i32 to vector<32x128xi32>
    %ne3A_708 = arith.cmpi ne, %and3A_705, %ne3A_707 : vector<32x128xi32>
    %convert_element_type3A_709 = arith.extui %ne3A_708 : vector<32x128xi1> to vector<32x128xi32>
    %convert_element_type3A_710 = arith.sitofp %convert_element_type3A_709 : vector<32x128xi32> to vector<32x128xf32>
    %concatenate3A_711 = tpu.concatenate %convert_element_type3A_647, %convert_element_type3A_656, %convert_element_type3A_665, %convert_element_type3A_674, %convert_element_type3A_683, %convert_element_type3A_692, %convert_element_type3A_701, %convert_element_type3A_710 in 1 : vector<32x128xf32>, vector<32x128xf32>, vector<32x128xf32>, vector<32x128xf32>, vector<32x128xf32>, vector<32x128xf32>, vector<32x128xf32>, vector<32x128xf32> -> vector<32x1024xf32>
    %swap3A_712 = arith.constant 0 : index
    %swap3A_713 = arith.constant 8 : index
    %swap3A_714 = arith.constant 0 : index
    %swap3A_715 = arith.constant 0 : index
    %swap3A_716 = vector.load %arg2[%swap3A_712, %swap3A_713, %swap3A_714, %swap3A_715] : memref<1x16x32x1024xf32, #tpu.memory_space<vmem>>, vector<1x1x32x1024xf32>
    %swap3A_717 = vector.shape_cast %swap3A_716 : vector<1x1x32x1024xf32> to vector<32x1024xf32>
    %swap3A_718 = vector.shape_cast %concatenate3A_711 : vector<32x1024xf32> to vector<1x1x32x1024xf32>
    tpu.vector_store %arg2[%swap3A_712, %swap3A_713, %swap3A_714, %swap3A_715], %swap3A_718 {strides = array<i32>} : memref<1x16x32x1024xf32, #tpu.memory_space<vmem>>, vector<1x1x32x1024xf32>,
    %slice3A_719 = vector.extract_strided_slice %bitcast_convert_type3A {offsets = [72, 0], sizes = [1, 128], strides = [1, 1]} : vector<128x128xi32> to vector<1x128xi32>
    %broadcast_in_dim3A_720 = vector.shape_cast %slice3A_719 : vector<1x128xi32> to vector<1x128xi32>
    %broadcast_in_dim3A_721 = vector.broadcast %broadcast_in_dim3A_720 : vector<1x128xi32> to vector<32x128xi32>
    %and3A_722 = arith.andi %broadcast_in_dim3A_721, %shift_left3A_5 : vector<32x128xi32>
    %ne3A_723 = arith.constant 0 : i32
    %ne3A_724 = vector.broadcast %ne3A_723 : i32 to vector<32x128xi32>
    %ne3A_725 = arith.cmpi ne, %and3A_722, %ne3A_724 : vector<32x128xi32>
    %convert_element_type3A_726 = arith.extui %ne3A_725 : vector<32x128xi1> to vector<32x128xi32>
    %convert_element_type3A_727 = arith.sitofp %convert_element_type3A_726 : vector<32x128xi32> to vector<32x128xf32>
    %slice3A_728 = vector.extract_strided_slice %bitcast_convert_type3A {offsets = [73, 0], sizes = [1, 128], strides = [1, 1]} : vector<128x128xi32> to vector<1x128xi32>
    %broadcast_in_dim3A_729 = vector.shape_cast %slice3A_728 : vector<1x128xi32> to vector<1x128xi32>
    %broadcast_in_dim3A_730 = vector.broadcast %broadcast_in_dim3A_729 : vector<1x128xi32> to vector<32x128xi32>
    %and3A_731 = arith.andi %broadcast_in_dim3A_730, %shift_left3A_5 : vector<32x128xi32>
    %ne3A_732 = arith.constant 0 : i32
    %ne3A_733 = vector.broadcast %ne3A_732 : i32 to vector<32x128xi32>
    %ne3A_734 = arith.cmpi ne, %and3A_731, %ne3A_733 : vector<32x128xi32>
    %convert_element_type3A_735 = arith.extui %ne3A_734 : vector<32x128xi1> to vector<32x128xi32>
    %convert_element_type3A_736 = arith.sitofp %convert_element_type3A_735 : vector<32x128xi32> to vector<32x128xf32>
    %slice3A_737 = vector.extract_strided_slice %bitcast_convert_type3A {offsets = [74, 0], sizes = [1, 128], strides = [1, 1]} : vector<128x128xi32> to vector<1x128xi32>
    %broadcast_in_dim3A_738 = vector.shape_cast %slice3A_737 : vector<1x128xi32> to vector<1x128xi32>
    %broadcast_in_dim3A_739 = vector.broadcast %broadcast_in_dim3A_738 : vector<1x128xi32> to vector<32x128xi32>
    %and3A_740 = arith.andi %broadcast_in_dim3A_739, %shift_left3A_5 : vector<32x128xi32>
    %ne3A_741 = arith.constant 0 : i32
    %ne3A_742 = vector.broadcast %ne3A_741 : i32 to vector<32x128xi32>
    %ne3A_743 = arith.cmpi ne, %and3A_740, %ne3A_742 : vector<32x128xi32>
    %convert_element_type3A_744 = arith.extui %ne3A_743 : vector<32x128xi1> to vector<32x128xi32>
    %convert_element_type3A_745 = arith.sitofp %convert_element_type3A_744 : vector<32x128xi32> to vector<32x128xf32>
    %slice3A_746 = vector.extract_strided_slice %bitcast_convert_type3A {offsets = [75, 0], sizes = [1, 128], strides = [1, 1]} : vector<128x128xi32> to vector<1x128xi32>
    %broadcast_in_dim3A_747 = vector.shape_cast %slice3A_746 : vector<1x128xi32> to vector<1x128xi32>
    %broadcast_in_dim3A_748 = vector.broadcast %broadcast_in_dim3A_747 : vector<1x128xi32> to vector<32x128xi32>
    %and3A_749 = arith.andi %broadcast_in_dim3A_748, %shift_left3A_5 : vector<32x128xi32>
    %ne3A_750 = arith.constant 0 : i32
    %ne3A_751 = vector.broadcast %ne3A_750 : i32 to vector<32x128xi32>
    %ne3A_752 = arith.cmpi ne, %and3A_749, %ne3A_751 : vector<32x128xi32>
    %convert_element_type3A_753 = arith.extui %ne3A_752 : vector<32x128xi1> to vector<32x128xi32>
    %convert_element_type3A_754 = arith.sitofp %convert_element_type3A_753 : vector<32x128xi32> to vector<32x128xf32>
    %slice3A_755 = vector.extract_strided_slice %bitcast_convert_type3A {offsets = [76, 0], sizes = [1, 128], strides = [1, 1]} : vector<128x128xi32> to vector<1x128xi32>
    %broadcast_in_dim3A_756 = vector.shape_cast %slice3A_755 : vector<1x128xi32> to vector<1x128xi32>
    %broadcast_in_dim3A_757 = vector.broadcast %broadcast_in_dim3A_756 : vector<1x128xi32> to vector<32x128xi32>
    %and3A_758 = arith.andi %broadcast_in_dim3A_757, %shift_left3A_5 : vector<32x128xi32>
    %ne3A_759 = arith.constant 0 : i32
    %ne3A_760 = vector.broadcast %ne3A_759 : i32 to vector<32x128xi32>
    %ne3A_761 = arith.cmpi ne, %and3A_758, %ne3A_760 : vector<32x128xi32>
    %convert_element_type3A_762 = arith.extui %ne3A_761 : vector<32x128xi1> to vector<32x128xi32>
    %convert_element_type3A_763 = arith.sitofp %convert_element_type3A_762 : vector<32x128xi32> to vector<32x128xf32>
    %slice3A_764 = vector.extract_strided_slice %bitcast_convert_type3A {offsets = [77, 0], sizes = [1, 128], strides = [1, 1]} : vector<128x128xi32> to vector<1x128xi32>
    %broadcast_in_dim3A_765 = vector.shape_cast %slice3A_764 : vector<1x128xi32> to vector<1x128xi32>
    %broadcast_in_dim3A_766 = vector.broadcast %broadcast_in_dim3A_765 : vector<1x128xi32> to vector<32x128xi32>
    %and3A_767 = arith.andi %broadcast_in_dim3A_766, %shift_left3A_5 : vector<32x128xi32>
    %ne3A_768 = arith.constant 0 : i32
    %ne3A_769 = vector.broadcast %ne3A_768 : i32 to vector<32x128xi32>
    %ne3A_770 = arith.cmpi ne, %and3A_767, %ne3A_769 : vector<32x128xi32>
    %convert_element_type3A_771 = arith.extui %ne3A_770 : vector<32x128xi1> to vector<32x128xi32>
    %convert_element_type3A_772 = arith.sitofp %convert_element_type3A_771 : vector<32x128xi32> to vector<32x128xf32>
    %slice3A_773 = vector.extract_strided_slice %bitcast_convert_type3A {offsets = [78, 0], sizes = [1, 128], strides = [1, 1]} : vector<128x128xi32> to vector<1x128xi32>
    %broadcast_in_dim3A_774 = vector.shape_cast %slice3A_773 : vector<1x128xi32> to vector<1x128xi32>
    %broadcast_in_dim3A_775 = vector.broadcast %broadcast_in_dim3A_774 : vector<1x128xi32> to vector<32x128xi32>
    %and3A_776 = arith.andi %broadcast_in_dim3A_775, %shift_left3A_5 : vector<32x128xi32>
    %ne3A_777 = arith.constant 0 : i32
    %ne3A_778 = vector.broadcast %ne3A_777 : i32 to vector<32x128xi32>
    %ne3A_779 = arith.cmpi ne, %and3A_776, %ne3A_778 : vector<32x128xi32>
    %convert_element_type3A_780 = arith.extui %ne3A_779 : vector<32x128xi1> to vector<32x128xi32>
    %convert_element_type3A_781 = arith.sitofp %convert_element_type3A_780 : vector<32x128xi32> to vector<32x128xf32>
    %slice3A_782 = vector.extract_strided_slice %bitcast_convert_type3A {offsets = [79, 0], sizes = [1, 128], strides = [1, 1]} : vector<128x128xi32> to vector<1x128xi32>
    %broadcast_in_dim3A_783 = vector.shape_cast %slice3A_782 : vector<1x128xi32> to vector<1x128xi32>
    %broadcast_in_dim3A_784 = vector.broadcast %broadcast_in_dim3A_783 : vector<1x128xi32> to vector<32x128xi32>
    %and3A_785 = arith.andi %broadcast_in_dim3A_784, %shift_left3A_5 : vector<32x128xi32>
    %ne3A_786 = arith.constant 0 : i32
    %ne3A_787 = vector.broadcast %ne3A_786 : i32 to vector<32x128xi32>
    %ne3A_788 = arith.cmpi ne, %and3A_785, %ne3A_787 : vector<32x128xi32>
    %convert_element_type3A_789 = arith.extui %ne3A_788 : vector<32x128xi1> to vector<32x128xi32>
    %convert_element_type3A_790 = arith.sitofp %convert_element_type3A_789 : vector<32x128xi32> to vector<32x128xf32>
    %concatenate3A_791 = tpu.concatenate %convert_element_type3A_727, %convert_element_type3A_736, %convert_element_type3A_745, %convert_element_type3A_754, %convert_element_type3A_763, %convert_element_type3A_772, %convert_element_type3A_781, %convert_element_type3A_790 in 1 : vector<32x128xf32>, vector<32x128xf32>, vector<32x128xf32>, vector<32x128xf32>, vector<32x128xf32>, vector<32x128xf32>, vector<32x128xf32>, vector<32x128xf32> -> vector<32x1024xf32>
    %swap3A_792 = arith.constant 0 : index
    %swap3A_793 = arith.constant 9 : index
    %swap3A_794 = arith.constant 0 : index
    %swap3A_795 = arith.constant 0 : index
    %swap3A_796 = vector.load %arg2[%swap3A_792, %swap3A_793, %swap3A_794, %swap3A_795] : memref<1x16x32x1024xf32, #tpu.memory_space<vmem>>, vector<1x1x32x1024xf32>
    %swap3A_797 = vector.shape_cast %swap3A_796 : vector<1x1x32x1024xf32> to vector<32x1024xf32>
    %swap3A_798 = vector.shape_cast %concatenate3A_791 : vector<32x1024xf32> to vector<1x1x32x1024xf32>
    tpu.vector_store %arg2[%swap3A_792, %swap3A_793, %swap3A_794, %swap3A_795], %swap3A_798 {strides = array<i32>} : memref<1x16x32x1024xf32, #tpu.memory_space<vmem>>, vector<1x1x32x1024xf32>,
    %slice3A_799 = vector.extract_strided_slice %bitcast_convert_type3A {offsets = [80, 0], sizes = [1, 128], strides = [1, 1]} : vector<128x128xi32> to vector<1x128xi32>
    %broadcast_in_dim3A_800 = vector.shape_cast %slice3A_799 : vector<1x128xi32> to vector<1x128xi32>
    %broadcast_in_dim3A_801 = vector.broadcast %broadcast_in_dim3A_800 : vector<1x128xi32> to vector<32x128xi32>
    %and3A_802 = arith.andi %broadcast_in_dim3A_801, %shift_left3A_5 : vector<32x128xi32>
    %ne3A_803 = arith.constant 0 : i32
    %ne3A_804 = vector.broadcast %ne3A_803 : i32 to vector<32x128xi32>
    %ne3A_805 = arith.cmpi ne, %and3A_802, %ne3A_804 : vector<32x128xi32>
    %convert_element_type3A_806 = arith.extui %ne3A_805 : vector<32x128xi1> to vector<32x128xi32>
    %convert_element_type3A_807 = arith.sitofp %convert_element_type3A_806 : vector<32x128xi32> to vector<32x128xf32>
    %slice3A_808 = vector.extract_strided_slice %bitcast_convert_type3A {offsets = [81, 0], sizes = [1, 128], strides = [1, 1]} : vector<128x128xi32> to vector<1x128xi32>
    %broadcast_in_dim3A_809 = vector.shape_cast %slice3A_808 : vector<1x128xi32> to vector<1x128xi32>
    %broadcast_in_dim3A_810 = vector.broadcast %broadcast_in_dim3A_809 : vector<1x128xi32> to vector<32x128xi32>
    %and3A_811 = arith.andi %broadcast_in_dim3A_810, %shift_left3A_5 : vector<32x128xi32>
    %ne3A_812 = arith.constant 0 : i32
    %ne3A_813 = vector.broadcast %ne3A_812 : i32 to vector<32x128xi32>
    %ne3A_814 = arith.cmpi ne, %and3A_811, %ne3A_813 : vector<32x128xi32>
    %convert_element_type3A_815 = arith.extui %ne3A_814 : vector<32x128xi1> to vector<32x128xi32>
    %convert_element_type3A_816 = arith.sitofp %convert_element_type3A_815 : vector<32x128xi32> to vector<32x128xf32>
    %slice3A_817 = vector.extract_strided_slice %bitcast_convert_type3A {offsets = [82, 0], sizes = [1, 128], strides = [1, 1]} : vector<128x128xi32> to vector<1x128xi32>
    %broadcast_in_dim3A_818 = vector.shape_cast %slice3A_817 : vector<1x128xi32> to vector<1x128xi32>
    %broadcast_in_dim3A_819 = vector.broadcast %broadcast_in_dim3A_818 : vector<1x128xi32> to vector<32x128xi32>
    %and3A_820 = arith.andi %broadcast_in_dim3A_819, %shift_left3A_5 : vector<32x128xi32>
    %ne3A_821 = arith.constant 0 : i32
    %ne3A_822 = vector.broadcast %ne3A_821 : i32 to vector<32x128xi32>
    %ne3A_823 = arith.cmpi ne, %and3A_820, %ne3A_822 : vector<32x128xi32>
    %convert_element_type3A_824 = arith.extui %ne3A_823 : vector<32x128xi1> to vector<32x128xi32>
    %convert_element_type3A_825 = arith.sitofp %convert_element_type3A_824 : vector<32x128xi32> to vector<32x128xf32>
    %slice3A_826 = vector.extract_strided_slice %bitcast_convert_type3A {offsets = [83, 0], sizes = [1, 128], strides = [1, 1]} : vector<128x128xi32> to vector<1x128xi32>
    %broadcast_in_dim3A_827 = vector.shape_cast %slice3A_826 : vector<1x128xi32> to vector<1x128xi32>
    %broadcast_in_dim3A_828 = vector.broadcast %broadcast_in_dim3A_827 : vector<1x128xi32> to vector<32x128xi32>
    %and3A_829 = arith.andi %broadcast_in_dim3A_828, %shift_left3A_5 : vector<32x128xi32>
    %ne3A_830 = arith.constant 0 : i32
    %ne3A_831 = vector.broadcast %ne3A_830 : i32 to vector<32x128xi32>
    %ne3A_832 = arith.cmpi ne, %and3A_829, %ne3A_831 : vector<32x128xi32>
    %convert_element_type3A_833 = arith.extui %ne3A_832 : vector<32x128xi1> to vector<32x128xi32>
    %convert_element_type3A_834 = arith.sitofp %convert_element_type3A_833 : vector<32x128xi32> to vector<32x128xf32>
    %slice3A_835 = vector.extract_strided_slice %bitcast_convert_type3A {offsets = [84, 0], sizes = [1, 128], strides = [1, 1]} : vector<128x128xi32> to vector<1x128xi32>
    %broadcast_in_dim3A_836 = vector.shape_cast %slice3A_835 : vector<1x128xi32> to vector<1x128xi32>
    %broadcast_in_dim3A_837 = vector.broadcast %broadcast_in_dim3A_836 : vector<1x128xi32> to vector<32x128xi32>
    %and3A_838 = arith.andi %broadcast_in_dim3A_837, %shift_left3A_5 : vector<32x128xi32>
    %ne3A_839 = arith.constant 0 : i32
    %ne3A_840 = vector.broadcast %ne3A_839 : i32 to vector<32x128xi32>
    %ne3A_841 = arith.cmpi ne, %and3A_838, %ne3A_840 : vector<32x128xi32>
    %convert_element_type3A_842 = arith.extui %ne3A_841 : vector<32x128xi1> to vector<32x128xi32>
    %convert_element_type3A_843 = arith.sitofp %convert_element_type3A_842 : vector<32x128xi32> to vector<32x128xf32>
    %slice3A_844 = vector.extract_strided_slice %bitcast_convert_type3A {offsets = [85, 0], sizes = [1, 128], strides = [1, 1]} : vector<128x128xi32> to vector<1x128xi32>
    %broadcast_in_dim3A_845 = vector.shape_cast %slice3A_844 : vector<1x128xi32> to vector<1x128xi32>
    %broadcast_in_dim3A_846 = vector.broadcast %broadcast_in_dim3A_845 : vector<1x128xi32> to vector<32x128xi32>
    %and3A_847 = arith.andi %broadcast_in_dim3A_846, %shift_left3A_5 : vector<32x128xi32>
    %ne3A_848 = arith.constant 0 : i32
    %ne3A_849 = vector.broadcast %ne3A_848 : i32 to vector<32x128xi32>
    %ne3A_850 = arith.cmpi ne, %and3A_847, %ne3A_849 : vector<32x128xi32>
    %convert_element_type3A_851 = arith.extui %ne3A_850 : vector<32x128xi1> to vector<32x128xi32>
    %convert_element_type3A_852 = arith.sitofp %convert_element_type3A_851 : vector<32x128xi32> to vector<32x128xf32>
    %slice3A_853 = vector.extract_strided_slice %bitcast_convert_type3A {offsets = [86, 0], sizes = [1, 128], strides = [1, 1]} : vector<128x128xi32> to vector<1x128xi32>
    %broadcast_in_dim3A_854 = vector.shape_cast %slice3A_853 : vector<1x128xi32> to vector<1x128xi32>
    %broadcast_in_dim3A_855 = vector.broadcast %broadcast_in_dim3A_854 : vector<1x128xi32> to vector<32x128xi32>
    %and3A_856 = arith.andi %broadcast_in_dim3A_855, %shift_left3A_5 : vector<32x128xi32>
    %ne3A_857 = arith.constant 0 : i32
    %ne3A_858 = vector.broadcast %ne3A_857 : i32 to vector<32x128xi32>
    %ne3A_859 = arith.cmpi ne, %and3A_856, %ne3A_858 : vector<32x128xi32>
    %convert_element_type3A_860 = arith.extui %ne3A_859 : vector<32x128xi1> to vector<32x128xi32>
    %convert_element_type3A_861 = arith.sitofp %convert_element_type3A_860 : vector<32x128xi32> to vector<32x128xf32>
    %slice3A_862 = vector.extract_strided_slice %bitcast_convert_type3A {offsets = [87, 0], sizes = [1, 128], strides = [1, 1]} : vector<128x128xi32> to vector<1x128xi32>
    %broadcast_in_dim3A_863 = vector.shape_cast %slice3A_862 : vector<1x128xi32> to vector<1x128xi32>
    %broadcast_in_dim3A_864 = vector.broadcast %broadcast_in_dim3A_863 : vector<1x128xi32> to vector<32x128xi32>
    %and3A_865 = arith.andi %broadcast_in_dim3A_864, %shift_left3A_5 : vector<32x128xi32>
    %ne3A_866 = arith.constant 0 : i32
    %ne3A_867 = vector.broadcast %ne3A_866 : i32 to vector<32x128xi32>
    %ne3A_868 = arith.cmpi ne, %and3A_865, %ne3A_867 : vector<32x128xi32>
    %convert_element_type3A_869 = arith.extui %ne3A_868 : vector<32x128xi1> to vector<32x128xi32>
    %convert_element_type3A_870 = arith.sitofp %convert_element_type3A_869 : vector<32x128xi32> to vector<32x128xf32>
    %concatenate3A_871 = tpu.concatenate %convert_element_type3A_807, %convert_element_type3A_816, %convert_element_type3A_825, %convert_element_type3A_834, %convert_element_type3A_843, %convert_element_type3A_852, %convert_element_type3A_861, %convert_element_type3A_870 in 1 : vector<32x128xf32>, vector<32x128xf32>, vector<32x128xf32>, vector<32x128xf32>, vector<32x128xf32>, vector<32x128xf32>, vector<32x128xf32>, vector<32x128xf32> -> vector<32x1024xf32>
    %swap3A_872 = arith.constant 0 : index
    %swap3A_873 = arith.constant 10 : index
    %swap3A_874 = arith.constant 0 : index
    %swap3A_875 = arith.constant 0 : index
    %swap3A_876 = vector.load %arg2[%swap3A_872, %swap3A_873, %swap3A_874, %swap3A_875] : memref<1x16x32x1024xf32, #tpu.memory_space<vmem>>, vector<1x1x32x1024xf32>
    %swap3A_877 = vector.shape_cast %swap3A_876 : vector<1x1x32x1024xf32> to vector<32x1024xf32>
    %swap3A_878 = vector.shape_cast %concatenate3A_871 : vector<32x1024xf32> to vector<1x1x32x1024xf32>
    tpu.vector_store %arg2[%swap3A_872, %swap3A_873, %swap3A_874, %swap3A_875], %swap3A_878 {strides = array<i32>} : memref<1x16x32x1024xf32, #tpu.memory_space<vmem>>, vector<1x1x32x1024xf32>,
    %slice3A_879 = vector.extract_strided_slice %bitcast_convert_type3A {offsets = [88, 0], sizes = [1, 128], strides = [1, 1]} : vector<128x128xi32> to vector<1x128xi32>
    %broadcast_in_dim3A_880 = vector.shape_cast %slice3A_879 : vector<1x128xi32> to vector<1x128xi32>
    %broadcast_in_dim3A_881 = vector.broadcast %broadcast_in_dim3A_880 : vector<1x128xi32> to vector<32x128xi32>
    %and3A_882 = arith.andi %broadcast_in_dim3A_881, %shift_left3A_5 : vector<32x128xi32>
    %ne3A_883 = arith.constant 0 : i32
    %ne3A_884 = vector.broadcast %ne3A_883 : i32 to vector<32x128xi32>
    %ne3A_885 = arith.cmpi ne, %and3A_882, %ne3A_884 : vector<32x128xi32>
    %convert_element_type3A_886 = arith.extui %ne3A_885 : vector<32x128xi1> to vector<32x128xi32>
    %convert_element_type3A_887 = arith.sitofp %convert_element_type3A_886 : vector<32x128xi32> to vector<32x128xf32>
    %slice3A_888 = vector.extract_strided_slice %bitcast_convert_type3A {offsets = [89, 0], sizes = [1, 128], strides = [1, 1]} : vector<128x128xi32> to vector<1x128xi32>
    %broadcast_in_dim3A_889 = vector.shape_cast %slice3A_888 : vector<1x128xi32> to vector<1x128xi32>
    %broadcast_in_dim3A_890 = vector.broadcast %broadcast_in_dim3A_889 : vector<1x128xi32> to vector<32x128xi32>
    %and3A_891 = arith.andi %broadcast_in_dim3A_890, %shift_left3A_5 : vector<32x128xi32>
    %ne3A_892 = arith.constant 0 : i32
    %ne3A_893 = vector.broadcast %ne3A_892 : i32 to vector<32x128xi32>
    %ne3A_894 = arith.cmpi ne, %and3A_891, %ne3A_893 : vector<32x128xi32>
    %convert_element_type3A_895 = arith.extui %ne3A_894 : vector<32x128xi1> to vector<32x128xi32>
    %convert_element_type3A_896 = arith.sitofp %convert_element_type3A_895 : vector<32x128xi32> to vector<32x128xf32>
    %slice3A_897 = vector.extract_strided_slice %bitcast_convert_type3A {offsets = [90, 0], sizes = [1, 128], strides = [1, 1]} : vector<128x128xi32> to vector<1x128xi32>
    %broadcast_in_dim3A_898 = vector.shape_cast %slice3A_897 : vector<1x128xi32> to vector<1x128xi32>
    %broadcast_in_dim3A_899 = vector.broadcast %broadcast_in_dim3A_898 : vector<1x128xi32> to vector<32x128xi32>
    %and3A_900 = arith.andi %broadcast_in_dim3A_899, %shift_left3A_5 : vector<32x128xi32>
    %ne3A_901 = arith.constant 0 : i32
    %ne3A_902 = vector.broadcast %ne3A_901 : i32 to vector<32x128xi32>
    %ne3A_903 = arith.cmpi ne, %and3A_900, %ne3A_902 : vector<32x128xi32>
    %convert_element_type3A_904 = arith.extui %ne3A_903 : vector<32x128xi1> to vector<32x128xi32>
    %convert_element_type3A_905 = arith.sitofp %convert_element_type3A_904 : vector<32x128xi32> to vector<32x128xf32>
    %slice3A_906 = vector.extract_strided_slice %bitcast_convert_type3A {offsets = [91, 0], sizes = [1, 128], strides = [1, 1]} : vector<128x128xi32> to vector<1x128xi32>
    %broadcast_in_dim3A_907 = vector.shape_cast %slice3A_906 : vector<1x128xi32> to vector<1x128xi32>
    %broadcast_in_dim3A_908 = vector.broadcast %broadcast_in_dim3A_907 : vector<1x128xi32> to vector<32x128xi32>
    %and3A_909 = arith.andi %broadcast_in_dim3A_908, %shift_left3A_5 : vector<32x128xi32>
    %ne3A_910 = arith.constant 0 : i32
    %ne3A_911 = vector.broadcast %ne3A_910 : i32 to vector<32x128xi32>
    %ne3A_912 = arith.cmpi ne, %and3A_909, %ne3A_911 : vector<32x128xi32>
    %convert_element_type3A_913 = arith.extui %ne3A_912 : vector<32x128xi1> to vector<32x128xi32>
    %convert_element_type3A_914 = arith.sitofp %convert_element_type3A_913 : vector<32x128xi32> to vector<32x128xf32>
    %slice3A_915 = vector.extract_strided_slice %bitcast_convert_type3A {offsets = [92, 0], sizes = [1, 128], strides = [1, 1]} : vector<128x128xi32> to vector<1x128xi32>
    %broadcast_in_dim3A_916 = vector.shape_cast %slice3A_915 : vector<1x128xi32> to vector<1x128xi32>
    %broadcast_in_dim3A_917 = vector.broadcast %broadcast_in_dim3A_916 : vector<1x128xi32> to vector<32x128xi32>
    %and3A_918 = arith.andi %broadcast_in_dim3A_917, %shift_left3A_5 : vector<32x128xi32>
    %ne3A_919 = arith.constant 0 : i32
    %ne3A_920 = vector.broadcast %ne3A_919 : i32 to vector<32x128xi32>
    %ne3A_921 = arith.cmpi ne, %and3A_918, %ne3A_920 : vector<32x128xi32>
    %convert_element_type3A_922 = arith.extui %ne3A_921 : vector<32x128xi1> to vector<32x128xi32>
    %convert_element_type3A_923 = arith.sitofp %convert_element_type3A_922 : vector<32x128xi32> to vector<32x128xf32>
    %slice3A_924 = vector.extract_strided_slice %bitcast_convert_type3A {offsets = [93, 0], sizes = [1, 128], strides = [1, 1]} : vector<128x128xi32> to vector<1x128xi32>
    %broadcast_in_dim3A_925 = vector.shape_cast %slice3A_924 : vector<1x128xi32> to vector<1x128xi32>
    %broadcast_in_dim3A_926 = vector.broadcast %broadcast_in_dim3A_925 : vector<1x128xi32> to vector<32x128xi32>
    %and3A_927 = arith.andi %broadcast_in_dim3A_926, %shift_left3A_5 : vector<32x128xi32>
    %ne3A_928 = arith.constant 0 : i32
    %ne3A_929 = vector.broadcast %ne3A_928 : i32 to vector<32x128xi32>
    %ne3A_930 = arith.cmpi ne, %and3A_927, %ne3A_929 : vector<32x128xi32>
    %convert_element_type3A_931 = arith.extui %ne3A_930 : vector<32x128xi1> to vector<32x128xi32>
    %convert_element_type3A_932 = arith.sitofp %convert_element_type3A_931 : vector<32x128xi32> to vector<32x128xf32>
    %slice3A_933 = vector.extract_strided_slice %bitcast_convert_type3A {offsets = [94, 0], sizes = [1, 128], strides = [1, 1]} : vector<128x128xi32> to vector<1x128xi32>
    %broadcast_in_dim3A_934 = vector.shape_cast %slice3A_933 : vector<1x128xi32> to vector<1x128xi32>
    %broadcast_in_dim3A_935 = vector.broadcast %broadcast_in_dim3A_934 : vector<1x128xi32> to vector<32x128xi32>
    %and3A_936 = arith.andi %broadcast_in_dim3A_935, %shift_left3A_5 : vector<32x128xi32>
    %ne3A_937 = arith.constant 0 : i32
    %ne3A_938 = vector.broadcast %ne3A_937 : i32 to vector<32x128xi32>
    %ne3A_939 = arith.cmpi ne, %and3A_936, %ne3A_938 : vector<32x128xi32>
    %convert_element_type3A_940 = arith.extui %ne3A_939 : vector<32x128xi1> to vector<32x128xi32>
    %convert_element_type3A_941 = arith.sitofp %convert_element_type3A_940 : vector<32x128xi32> to vector<32x128xf32>
    %slice3A_942 = vector.extract_strided_slice %bitcast_convert_type3A {offsets = [95, 0], sizes = [1, 128], strides = [1, 1]} : vector<128x128xi32> to vector<1x128xi32>
    %broadcast_in_dim3A_943 = vector.shape_cast %slice3A_942 : vector<1x128xi32> to vector<1x128xi32>
    %broadcast_in_dim3A_944 = vector.broadcast %broadcast_in_dim3A_943 : vector<1x128xi32> to vector<32x128xi32>
    %and3A_945 = arith.andi %broadcast_in_dim3A_944, %shift_left3A_5 : vector<32x128xi32>
    %ne3A_946 = arith.constant 0 : i32
    %ne3A_947 = vector.broadcast %ne3A_946 : i32 to vector<32x128xi32>
    %ne3A_948 = arith.cmpi ne, %and3A_945, %ne3A_947 : vector<32x128xi32>
    %convert_element_type3A_949 = arith.extui %ne3A_948 : vector<32x128xi1> to vector<32x128xi32>
    %convert_element_type3A_950 = arith.sitofp %convert_element_type3A_949 : vector<32x128xi32> to vector<32x128xf32>
    %concatenate3A_951 = tpu.concatenate %convert_element_type3A_887, %convert_element_type3A_896, %convert_element_type3A_905, %convert_element_type3A_914, %convert_element_type3A_923, %convert_element_type3A_932, %convert_element_type3A_941, %convert_element_type3A_950 in 1 : vector<32x128xf32>, vector<32x128xf32>, vector<32x128xf32>, vector<32x128xf32>, vector<32x128xf32>, vector<32x128xf32>, vector<32x128xf32>, vector<32x128xf32> -> vector<32x1024xf32>
    %swap3A_952 = arith.constant 0 : index
    %swap3A_953 = arith.constant 11 : index
    %swap3A_954 = arith.constant 0 : index
    %swap3A_955 = arith.constant 0 : index
    %swap3A_956 = vector.load %arg2[%swap3A_952, %swap3A_953, %swap3A_954, %swap3A_955] : memref<1x16x32x1024xf32, #tpu.memory_space<vmem>>, vector<1x1x32x1024xf32>
    %swap3A_957 = vector.shape_cast %swap3A_956 : vector<1x1x32x1024xf32> to vector<32x1024xf32>
    %swap3A_958 = vector.shape_cast %concatenate3A_951 : vector<32x1024xf32> to vector<1x1x32x1024xf32>
    tpu.vector_store %arg2[%swap3A_952, %swap3A_953, %swap3A_954, %swap3A_955], %swap3A_958 {strides = array<i32>} : memref<1x16x32x1024xf32, #tpu.memory_space<vmem>>, vector<1x1x32x1024xf32>,
    %slice3A_959 = vector.extract_strided_slice %bitcast_convert_type3A {offsets = [96, 0], sizes = [1, 128], strides = [1, 1]} : vector<128x128xi32> to vector<1x128xi32>
    %broadcast_in_dim3A_960 = vector.shape_cast %slice3A_959 : vector<1x128xi32> to vector<1x128xi32>
    %broadcast_in_dim3A_961 = vector.broadcast %broadcast_in_dim3A_960 : vector<1x128xi32> to vector<32x128xi32>
    %and3A_962 = arith.andi %broadcast_in_dim3A_961, %shift_left3A_5 : vector<32x128xi32>
    %ne3A_963 = arith.constant 0 : i32
    %ne3A_964 = vector.broadcast %ne3A_963 : i32 to vector<32x128xi32>
    %ne3A_965 = arith.cmpi ne, %and3A_962, %ne3A_964 : vector<32x128xi32>
    %convert_element_type3A_966 = arith.extui %ne3A_965 : vector<32x128xi1> to vector<32x128xi32>
    %convert_element_type3A_967 = arith.sitofp %convert_element_type3A_966 : vector<32x128xi32> to vector<32x128xf32>
    %slice3A_968 = vector.extract_strided_slice %bitcast_convert_type3A {offsets = [97, 0], sizes = [1, 128], strides = [1, 1]} : vector<128x128xi32> to vector<1x128xi32>
    %broadcast_in_dim3A_969 = vector.shape_cast %slice3A_968 : vector<1x128xi32> to vector<1x128xi32>
    %broadcast_in_dim3A_970 = vector.broadcast %broadcast_in_dim3A_969 : vector<1x128xi32> to vector<32x128xi32>
    %and3A_971 = arith.andi %broadcast_in_dim3A_970, %shift_left3A_5 : vector<32x128xi32>
    %ne3A_972 = arith.constant 0 : i32
    %ne3A_973 = vector.broadcast %ne3A_972 : i32 to vector<32x128xi32>
    %ne3A_974 = arith.cmpi ne, %and3A_971, %ne3A_973 : vector<32x128xi32>
    %convert_element_type3A_975 = arith.extui %ne3A_974 : vector<32x128xi1> to vector<32x128xi32>
    %convert_element_type3A_976 = arith.sitofp %convert_element_type3A_975 : vector<32x128xi32> to vector<32x128xf32>
    %slice3A_977 = vector.extract_strided_slice %bitcast_convert_type3A {offsets = [98, 0], sizes = [1, 128], strides = [1, 1]} : vector<128x128xi32> to vector<1x128xi32>
    %broadcast_in_dim3A_978 = vector.shape_cast %slice3A_977 : vector<1x128xi32> to vector<1x128xi32>
    %broadcast_in_dim3A_979 = vector.broadcast %broadcast_in_dim3A_978 : vector<1x128xi32> to vector<32x128xi32>
    %and3A_980 = arith.andi %broadcast_in_dim3A_979, %shift_left3A_5 : vector<32x128xi32>
    %ne3A_981 = arith.constant 0 : i32
    %ne3A_982 = vector.broadcast %ne3A_981 : i32 to vector<32x128xi32>
    %ne3A_983 = arith.cmpi ne, %and3A_980, %ne3A_982 : vector<32x128xi32>
    %convert_element_type3A_984 = arith.extui %ne3A_983 : vector<32x128xi1> to vector<32x128xi32>
    %convert_element_type3A_985 = arith.sitofp %convert_element_type3A_984 : vector<32x128xi32> to vector<32x128xf32>
    %slice3A_986 = vector.extract_strided_slice %bitcast_convert_type3A {offsets = [99, 0], sizes = [1, 128], strides = [1, 1]} : vector<128x128xi32> to vector<1x128xi32>
    %broadcast_in_dim3A_987 = vector.shape_cast %slice3A_986 : vector<1x128xi32> to vector<1x128xi32>
    %broadcast_in_dim3A_988 = vector.broadcast %broadcast_in_dim3A_987 : vector<1x128xi32> to vector<32x128xi32>
    %and3A_989 = arith.andi %broadcast_in_dim3A_988, %shift_left3A_5 : vector<32x128xi32>
    %ne3A_990 = arith.constant 0 : i32
    %ne3A_991 = vector.broadcast %ne3A_990 : i32 to vector<32x128xi32>
    %ne3A_992 = arith.cmpi ne, %and3A_989, %ne3A_991 : vector<32x128xi32>
    %convert_element_type3A_993 = arith.extui %ne3A_992 : vector<32x128xi1> to vector<32x128xi32>
    %convert_element_type3A_994 = arith.sitofp %convert_element_type3A_993 : vector<32x128xi32> to vector<32x128xf32>
    %slice3A_995 = vector.extract_strided_slice %bitcast_convert_type3A {offsets = [100, 0], sizes = [1, 128], strides = [1, 1]} : vector<128x128xi32> to vector<1x128xi32>
    %broadcast_in_dim3A_996 = vector.shape_cast %slice3A_995 : vector<1x128xi32> to vector<1x128xi32>
    %broadcast_in_dim3A_997 = vector.broadcast %broadcast_in_dim3A_996 : vector<1x128xi32> to vector<32x128xi32>
    %and3A_998 = arith.andi %broadcast_in_dim3A_997, %shift_left3A_5 : vector<32x128xi32>
    %ne3A_999 = arith.constant 0 : i32
    %ne3A_1000 = vector.broadcast %ne3A_999 : i32 to vector<32x128xi32>
    %ne3A_1001 = arith.cmpi ne, %and3A_998, %ne3A_1000 : vector<32x128xi32>
    %convert_element_type3A_1002 = arith.extui %ne3A_1001 : vector<32x128xi1> to vector<32x128xi32>
    %convert_element_type3A_1003 = arith.sitofp %convert_element_type3A_1002 : vector<32x128xi32> to vector<32x128xf32>
    %slice3A_1004 = vector.extract_strided_slice %bitcast_convert_type3A {offsets = [101, 0], sizes = [1, 128], strides = [1, 1]} : vector<128x128xi32> to vector<1x128xi32>
    %broadcast_in_dim3A_1005 = vector.shape_cast %slice3A_1004 : vector<1x128xi32> to vector<1x128xi32>
    %broadcast_in_dim3A_1006 = vector.broadcast %broadcast_in_dim3A_1005 : vector<1x128xi32> to vector<32x128xi32>
    %and3A_1007 = arith.andi %broadcast_in_dim3A_1006, %shift_left3A_5 : vector<32x128xi32>
    %ne3A_1008 = arith.constant 0 : i32
    %ne3A_1009 = vector.broadcast %ne3A_1008 : i32 to vector<32x128xi32>
    %ne3A_1010 = arith.cmpi ne, %and3A_1007, %ne3A_1009 : vector<32x128xi32>
    %convert_element_type3A_1011 = arith.extui %ne3A_1010 : vector<32x128xi1> to vector<32x128xi32>
    %convert_element_type3A_1012 = arith.sitofp %convert_element_type3A_1011 : vector<32x128xi32> to vector<32x128xf32>
    %slice3A_1013 = vector.extract_strided_slice %bitcast_convert_type3A {offsets = [102, 0], sizes = [1, 128], strides = [1, 1]} : vector<128x128xi32> to vector<1x128xi32>
    %broadcast_in_dim3A_1014 = vector.shape_cast %slice3A_1013 : vector<1x128xi32> to vector<1x128xi32>
    %broadcast_in_dim3A_1015 = vector.broadcast %broadcast_in_dim3A_1014 : vector<1x128xi32> to vector<32x128xi32>
    %and3A_1016 = arith.andi %broadcast_in_dim3A_1015, %shift_left3A_5 : vector<32x128xi32>
    %ne3A_1017 = arith.constant 0 : i32
    %ne3A_1018 = vector.broadcast %ne3A_1017 : i32 to vector<32x128xi32>
    %ne3A_1019 = arith.cmpi ne, %and3A_1016, %ne3A_1018 : vector<32x128xi32>
    %convert_element_type3A_1020 = arith.extui %ne3A_1019 : vector<32x128xi1> to vector<32x128xi32>
    %convert_element_type3A_1021 = arith.sitofp %convert_element_type3A_1020 : vector<32x128xi32> to vector<32x128xf32>
    %slice3A_1022 = vector.extract_strided_slice %bitcast_convert_type3A {offsets = [103, 0], sizes = [1, 128], strides = [1, 1]} : vector<128x128xi32> to vector<1x128xi32>
    %broadcast_in_dim3A_1023 = vector.shape_cast %slice3A_1022 : vector<1x128xi32> to vector<1x128xi32>
    %broadcast_in_dim3A_1024 = vector.broadcast %broadcast_in_dim3A_1023 : vector<1x128xi32> to vector<32x128xi32>
    %and3A_1025 = arith.andi %broadcast_in_dim3A_1024, %shift_left3A_5 : vector<32x128xi32>
    %ne3A_1026 = arith.constant 0 : i32
    %ne3A_1027 = vector.broadcast %ne3A_1026 : i32 to vector<32x128xi32>
    %ne3A_1028 = arith.cmpi ne, %and3A_1025, %ne3A_1027 : vector<32x128xi32>
    %convert_element_type3A_1029 = arith.extui %ne3A_1028 : vector<32x128xi1> to vector<32x128xi32>
    %convert_element_type3A_1030 = arith.sitofp %convert_element_type3A_1029 : vector<32x128xi32> to vector<32x128xf32>
    %concatenate3A_1031 = tpu.concatenate %convert_element_type3A_967, %convert_element_type3A_976, %convert_element_type3A_985, %convert_element_type3A_994, %convert_element_type3A_1003, %convert_element_type3A_1012, %convert_element_type3A_1021, %convert_element_type3A_1030 in 1 : vector<32x128xf32>, vector<32x128xf32>, vector<32x128xf32>, vector<32x128xf32>, vector<32x128xf32>, vector<32x128xf32>, vector<32x128xf32>, vector<32x128xf32> -> vector<32x1024xf32>
    %swap3A_1032 = arith.constant 0 : index
    %swap3A_1033 = arith.constant 12 : index
    %swap3A_1034 = arith.constant 0 : index
    %swap3A_1035 = arith.constant 0 : index
    %swap3A_1036 = vector.load %arg2[%swap3A_1032, %swap3A_1033, %swap3A_1034, %swap3A_1035] : memref<1x16x32x1024xf32, #tpu.memory_space<vmem>>, vector<1x1x32x1024xf32>
    %swap3A_1037 = vector.shape_cast %swap3A_1036 : vector<1x1x32x1024xf32> to vector<32x1024xf32>
    %swap3A_1038 = vector.shape_cast %concatenate3A_1031 : vector<32x1024xf32> to vector<1x1x32x1024xf32>
    tpu.vector_store %arg2[%swap3A_1032, %swap3A_1033, %swap3A_1034, %swap3A_1035], %swap3A_1038 {strides = array<i32>} : memref<1x16x32x1024xf32, #tpu.memory_space<vmem>>, vector<1x1x32x1024xf32>,
    %slice3A_1039 = vector.extract_strided_slice %bitcast_convert_type3A {offsets = [104, 0], sizes = [1, 128], strides = [1, 1]} : vector<128x128xi32> to vector<1x128xi32>
    %broadcast_in_dim3A_1040 = vector.shape_cast %slice3A_1039 : vector<1x128xi32> to vector<1x128xi32>
    %broadcast_in_dim3A_1041 = vector.broadcast %broadcast_in_dim3A_1040 : vector<1x128xi32> to vector<32x128xi32>
    %and3A_1042 = arith.andi %broadcast_in_dim3A_1041, %shift_left3A_5 : vector<32x128xi32>
    %ne3A_1043 = arith.constant 0 : i32
    %ne3A_1044 = vector.broadcast %ne3A_1043 : i32 to vector<32x128xi32>
    %ne3A_1045 = arith.cmpi ne, %and3A_1042, %ne3A_1044 : vector<32x128xi32>
    %convert_element_type3A_1046 = arith.extui %ne3A_1045 : vector<32x128xi1> to vector<32x128xi32>
    %convert_element_type3A_1047 = arith.sitofp %convert_element_type3A_1046 : vector<32x128xi32> to vector<32x128xf32>
    %slice3A_1048 = vector.extract_strided_slice %bitcast_convert_type3A {offsets = [105, 0], sizes = [1, 128], strides = [1, 1]} : vector<128x128xi32> to vector<1x128xi32>
    %broadcast_in_dim3A_1049 = vector.shape_cast %slice3A_1048 : vector<1x128xi32> to vector<1x128xi32>
    %broadcast_in_dim3A_1050 = vector.broadcast %broadcast_in_dim3A_1049 : vector<1x128xi32> to vector<32x128xi32>
    %and3A_1051 = arith.andi %broadcast_in_dim3A_1050, %shift_left3A_5 : vector<32x128xi32>
    %ne3A_1052 = arith.constant 0 : i32
    %ne3A_1053 = vector.broadcast %ne3A_1052 : i32 to vector<32x128xi32>
    %ne3A_1054 = arith.cmpi ne, %and3A_1051, %ne3A_1053 : vector<32x128xi32>
    %convert_element_type3A_1055 = arith.extui %ne3A_1054 : vector<32x128xi1> to vector<32x128xi32>
    %convert_element_type3A_1056 = arith.sitofp %convert_element_type3A_1055 : vector<32x128xi32> to vector<32x128xf32>
    %slice3A_1057 = vector.extract_strided_slice %bitcast_convert_type3A {offsets = [106, 0], sizes = [1, 128], strides = [1, 1]} : vector<128x128xi32> to vector<1x128xi32>
    %broadcast_in_dim3A_1058 = vector.shape_cast %slice3A_1057 : vector<1x128xi32> to vector<1x128xi32>
    %broadcast_in_dim3A_1059 = vector.broadcast %broadcast_in_dim3A_1058 : vector<1x128xi32> to vector<32x128xi32>
    %and3A_1060 = arith.andi %broadcast_in_dim3A_1059, %shift_left3A_5 : vector<32x128xi32>
    %ne3A_1061 = arith.constant 0 : i32
    %ne3A_1062 = vector.broadcast %ne3A_1061 : i32 to vector<32x128xi32>
    %ne3A_1063 = arith.cmpi ne, %and3A_1060, %ne3A_1062 : vector<32x128xi32>
    %convert_element_type3A_1064 = arith.extui %ne3A_1063 : vector<32x128xi1> to vector<32x128xi32>
    %convert_element_type3A_1065 = arith.sitofp %convert_element_type3A_1064 : vector<32x128xi32> to vector<32x128xf32>
    %slice3A_1066 = vector.extract_strided_slice %bitcast_convert_type3A {offsets = [107, 0], sizes = [1, 128], strides = [1, 1]} : vector<128x128xi32> to vector<1x128xi32>
    %broadcast_in_dim3A_1067 = vector.shape_cast %slice3A_1066 : vector<1x128xi32> to vector<1x128xi32>
    %broadcast_in_dim3A_1068 = vector.broadcast %broadcast_in_dim3A_1067 : vector<1x128xi32> to vector<32x128xi32>
    %and3A_1069 = arith.andi %broadcast_in_dim3A_1068, %shift_left3A_5 : vector<32x128xi32>
    %ne3A_1070 = arith.constant 0 : i32
    %ne3A_1071 = vector.broadcast %ne3A_1070 : i32 to vector<32x128xi32>
    %ne3A_1072 = arith.cmpi ne, %and3A_1069, %ne3A_1071 : vector<32x128xi32>
    %convert_element_type3A_1073 = arith.extui %ne3A_1072 : vector<32x128xi1> to vector<32x128xi32>
    %convert_element_type3A_1074 = arith.sitofp %convert_element_type3A_1073 : vector<32x128xi32> to vector<32x128xf32>
    %slice3A_1075 = vector.extract_strided_slice %bitcast_convert_type3A {offsets = [108, 0], sizes = [1, 128], strides = [1, 1]} : vector<128x128xi32> to vector<1x128xi32>
    %broadcast_in_dim3A_1076 = vector.shape_cast %slice3A_1075 : vector<1x128xi32> to vector<1x128xi32>
    %broadcast_in_dim3A_1077 = vector.broadcast %broadcast_in_dim3A_1076 : vector<1x128xi32> to vector<32x128xi32>
    %and3A_1078 = arith.andi %broadcast_in_dim3A_1077, %shift_left3A_5 : vector<32x128xi32>
    %ne3A_1079 = arith.constant 0 : i32
    %ne3A_1080 = vector.broadcast %ne3A_1079 : i32 to vector<32x128xi32>
    %ne3A_1081 = arith.cmpi ne, %and3A_1078, %ne3A_1080 : vector<32x128xi32>
    %convert_element_type3A_1082 = arith.extui %ne3A_1081 : vector<32x128xi1> to vector<32x128xi32>
    %convert_element_type3A_1083 = arith.sitofp %convert_element_type3A_1082 : vector<32x128xi32> to vector<32x128xf32>
    %slice3A_1084 = vector.extract_strided_slice %bitcast_convert_type3A {offsets = [109, 0], sizes = [1, 128], strides = [1, 1]} : vector<128x128xi32> to vector<1x128xi32>
    %broadcast_in_dim3A_1085 = vector.shape_cast %slice3A_1084 : vector<1x128xi32> to vector<1x128xi32>
    %broadcast_in_dim3A_1086 = vector.broadcast %broadcast_in_dim3A_1085 : vector<1x128xi32> to vector<32x128xi32>
    %and3A_1087 = arith.andi %broadcast_in_dim3A_1086, %shift_left3A_5 : vector<32x128xi32>
    %ne3A_1088 = arith.constant 0 : i32
    %ne3A_1089 = vector.broadcast %ne3A_1088 : i32 to vector<32x128xi32>
    %ne3A_1090 = arith.cmpi ne, %and3A_1087, %ne3A_1089 : vector<32x128xi32>
    %convert_element_type3A_1091 = arith.extui %ne3A_1090 : vector<32x128xi1> to vector<32x128xi32>
    %convert_element_type3A_1092 = arith.sitofp %convert_element_type3A_1091 : vector<32x128xi32> to vector<32x128xf32>
    %slice3A_1093 = vector.extract_strided_slice %bitcast_convert_type3A {offsets = [110, 0], sizes = [1, 128], strides = [1, 1]} : vector<128x128xi32> to vector<1x128xi32>
    %broadcast_in_dim3A_1094 = vector.shape_cast %slice3A_1093 : vector<1x128xi32> to vector<1x128xi32>
    %broadcast_in_dim3A_1095 = vector.broadcast %broadcast_in_dim3A_1094 : vector<1x128xi32> to vector<32x128xi32>
    %and3A_1096 = arith.andi %broadcast_in_dim3A_1095, %shift_left3A_5 : vector<32x128xi32>
    %ne3A_1097 = arith.constant 0 : i32
    %ne3A_1098 = vector.broadcast %ne3A_1097 : i32 to vector<32x128xi32>
    %ne3A_1099 = arith.cmpi ne, %and3A_1096, %ne3A_1098 : vector<32x128xi32>
    %convert_element_type3A_1100 = arith.extui %ne3A_1099 : vector<32x128xi1> to vector<32x128xi32>
    %convert_element_type3A_1101 = arith.sitofp %convert_element_type3A_1100 : vector<32x128xi32> to vector<32x128xf32>
    %slice3A_1102 = vector.extract_strided_slice %bitcast_convert_type3A {offsets = [111, 0], sizes = [1, 128], strides = [1, 1]} : vector<128x128xi32> to vector<1x128xi32>
    %broadcast_in_dim3A_1103 = vector.shape_cast %slice3A_1102 : vector<1x128xi32> to vector<1x128xi32>
    %broadcast_in_dim3A_1104 = vector.broadcast %broadcast_in_dim3A_1103 : vector<1x128xi32> to vector<32x128xi32>
    %and3A_1105 = arith.andi %broadcast_in_dim3A_1104, %shift_left3A_5 : vector<32x128xi32>
    %ne3A_1106 = arith.constant 0 : i32
    %ne3A_1107 = vector.broadcast %ne3A_1106 : i32 to vector<32x128xi32>
    %ne3A_1108 = arith.cmpi ne, %and3A_1105, %ne3A_1107 : vector<32x128xi32>
    %convert_element_type3A_1109 = arith.extui %ne3A_1108 : vector<32x128xi1> to vector<32x128xi32>
    %convert_element_type3A_1110 = arith.sitofp %convert_element_type3A_1109 : vector<32x128xi32> to vector<32x128xf32>
    %concatenate3A_1111 = tpu.concatenate %convert_element_type3A_1047, %convert_element_type3A_1056, %convert_element_type3A_1065, %convert_element_type3A_1074, %convert_element_type3A_1083, %convert_element_type3A_1092, %convert_element_type3A_1101, %convert_element_type3A_1110 in 1 : vector<32x128xf32>, vector<32x128xf32>, vector<32x128xf32>, vector<32x128xf32>, vector<32x128xf32>, vector<32x128xf32>, vector<32x128xf32>, vector<32x128xf32> -> vector<32x1024xf32>
    %swap3A_1112 = arith.constant 0 : index
    %swap3A_1113 = arith.constant 13 : index
    %swap3A_1114 = arith.constant 0 : index
    %swap3A_1115 = arith.constant 0 : index
    %swap3A_1116 = vector.load %arg2[%swap3A_1112, %swap3A_1113, %swap3A_1114, %swap3A_1115] : memref<1x16x32x1024xf32, #tpu.memory_space<vmem>>, vector<1x1x32x1024xf32>
    %swap3A_1117 = vector.shape_cast %swap3A_1116 : vector<1x1x32x1024xf32> to vector<32x1024xf32>
    %swap3A_1118 = vector.shape_cast %concatenate3A_1111 : vector<32x1024xf32> to vector<1x1x32x1024xf32>
    tpu.vector_store %arg2[%swap3A_1112, %swap3A_1113, %swap3A_1114, %swap3A_1115], %swap3A_1118 {strides = array<i32>} : memref<1x16x32x1024xf32, #tpu.memory_space<vmem>>, vector<1x1x32x1024xf32>,
    %slice3A_1119 = vector.extract_strided_slice %bitcast_convert_type3A {offsets = [112, 0], sizes = [1, 128], strides = [1, 1]} : vector<128x128xi32> to vector<1x128xi32>
    %broadcast_in_dim3A_1120 = vector.shape_cast %slice3A_1119 : vector<1x128xi32> to vector<1x128xi32>
    %broadcast_in_dim3A_1121 = vector.broadcast %broadcast_in_dim3A_1120 : vector<1x128xi32> to vector<32x128xi32>
    %and3A_1122 = arith.andi %broadcast_in_dim3A_1121, %shift_left3A_5 : vector<32x128xi32>
    %ne3A_1123 = arith.constant 0 : i32
    %ne3A_1124 = vector.broadcast %ne3A_1123 : i32 to vector<32x128xi32>
    %ne3A_1125 = arith.cmpi ne, %and3A_1122, %ne3A_1124 : vector<32x128xi32>
    %convert_element_type3A_1126 = arith.extui %ne3A_1125 : vector<32x128xi1> to vector<32x128xi32>
    %convert_element_type3A_1127 = arith.sitofp %convert_element_type3A_1126 : vector<32x128xi32> to vector<32x128xf32>
    %slice3A_1128 = vector.extract_strided_slice %bitcast_convert_type3A {offsets = [113, 0], sizes = [1, 128], strides = [1, 1]} : vector<128x128xi32> to vector<1x128xi32>
    %broadcast_in_dim3A_1129 = vector.shape_cast %slice3A_1128 : vector<1x128xi32> to vector<1x128xi32>
    %broadcast_in_dim3A_1130 = vector.broadcast %broadcast_in_dim3A_1129 : vector<1x128xi32> to vector<32x128xi32>
    %and3A_1131 = arith.andi %broadcast_in_dim3A_1130, %shift_left3A_5 : vector<32x128xi32>
    %ne3A_1132 = arith.constant 0 : i32
    %ne3A_1133 = vector.broadcast %ne3A_1132 : i32 to vector<32x128xi32>
    %ne3A_1134 = arith.cmpi ne, %and3A_1131, %ne3A_1133 : vector<32x128xi32>
    %convert_element_type3A_1135 = arith.extui %ne3A_1134 : vector<32x128xi1> to vector<32x128xi32>
    %convert_element_type3A_1136 = arith.sitofp %convert_element_type3A_1135 : vector<32x128xi32> to vector<32x128xf32>
    %slice3A_1137 = vector.extract_strided_slice %bitcast_convert_type3A {offsets = [114, 0], sizes = [1, 128], strides = [1, 1]} : vector<128x128xi32> to vector<1x128xi32>
    %broadcast_in_dim3A_1138 = vector.shape_cast %slice3A_1137 : vector<1x128xi32> to vector<1x128xi32>
    %broadcast_in_dim3A_1139 = vector.broadcast %broadcast_in_dim3A_1138 : vector<1x128xi32> to vector<32x128xi32>
    %and3A_1140 = arith.andi %broadcast_in_dim3A_1139, %shift_left3A_5 : vector<32x128xi32>
    %ne3A_1141 = arith.constant 0 : i32
    %ne3A_1142 = vector.broadcast %ne3A_1141 : i32 to vector<32x128xi32>
    %ne3A_1143 = arith.cmpi ne, %and3A_1140, %ne3A_1142 : vector<32x128xi32>
    %convert_element_type3A_1144 = arith.extui %ne3A_1143 : vector<32x128xi1> to vector<32x128xi32>
    %convert_element_type3A_1145 = arith.sitofp %convert_element_type3A_1144 : vector<32x128xi32> to vector<32x128xf32>
    %slice3A_1146 = vector.extract_strided_slice %bitcast_convert_type3A {offsets = [115, 0], sizes = [1, 128], strides = [1, 1]} : vector<128x128xi32> to vector<1x128xi32>
    %broadcast_in_dim3A_1147 = vector.shape_cast %slice3A_1146 : vector<1x128xi32> to vector<1x128xi32>
    %broadcast_in_dim3A_1148 = vector.broadcast %broadcast_in_dim3A_1147 : vector<1x128xi32> to vector<32x128xi32>
    %and3A_1149 = arith.andi %broadcast_in_dim3A_1148, %shift_left3A_5 : vector<32x128xi32>
    %ne3A_1150 = arith.constant 0 : i32
    %ne3A_1151 = vector.broadcast %ne3A_1150 : i32 to vector<32x128xi32>
    %ne3A_1152 = arith.cmpi ne, %and3A_1149, %ne3A_1151 : vector<32x128xi32>
    %convert_element_type3A_1153 = arith.extui %ne3A_1152 : vector<32x128xi1> to vector<32x128xi32>
    %convert_element_type3A_1154 = arith.sitofp %convert_element_type3A_1153 : vector<32x128xi32> to vector<32x128xf32>
    %slice3A_1155 = vector.extract_strided_slice %bitcast_convert_type3A {offsets = [116, 0], sizes = [1, 128], strides = [1, 1]} : vector<128x128xi32> to vector<1x128xi32>
    %broadcast_in_dim3A_1156 = vector.shape_cast %slice3A_1155 : vector<1x128xi32> to vector<1x128xi32>
    %broadcast_in_dim3A_1157 = vector.broadcast %broadcast_in_dim3A_1156 : vector<1x128xi32> to vector<32x128xi32>
    %and3A_1158 = arith.andi %broadcast_in_dim3A_1157, %shift_left3A_5 : vector<32x128xi32>
    %ne3A_1159 = arith.constant 0 : i32
    %ne3A_1160 = vector.broadcast %ne3A_1159 : i32 to vector<32x128xi32>
    %ne3A_1161 = arith.cmpi ne, %and3A_1158, %ne3A_1160 : vector<32x128xi32>
    %convert_element_type3A_1162 = arith.extui %ne3A_1161 : vector<32x128xi1> to vector<32x128xi32>
    %convert_element_type3A_1163 = arith.sitofp %convert_element_type3A_1162 : vector<32x128xi32> to vector<32x128xf32>
    %slice3A_1164 = vector.extract_strided_slice %bitcast_convert_type3A {offsets = [117, 0], sizes = [1, 128], strides = [1, 1]} : vector<128x128xi32> to vector<1x128xi32>
    %broadcast_in_dim3A_1165 = vector.shape_cast %slice3A_1164 : vector<1x128xi32> to vector<1x128xi32>
    %broadcast_in_dim3A_1166 = vector.broadcast %broadcast_in_dim3A_1165 : vector<1x128xi32> to vector<32x128xi32>
    %and3A_1167 = arith.andi %broadcast_in_dim3A_1166, %shift_left3A_5 : vector<32x128xi32>
    %ne3A_1168 = arith.constant 0 : i32
    %ne3A_1169 = vector.broadcast %ne3A_1168 : i32 to vector<32x128xi32>
    %ne3A_1170 = arith.cmpi ne, %and3A_1167, %ne3A_1169 : vector<32x128xi32>
    %convert_element_type3A_1171 = arith.extui %ne3A_1170 : vector<32x128xi1> to vector<32x128xi32>
    %convert_element_type3A_1172 = arith.sitofp %convert_element_type3A_1171 : vector<32x128xi32> to vector<32x128xf32>
    %slice3A_1173 = vector.extract_strided_slice %bitcast_convert_type3A {offsets = [118, 0], sizes = [1, 128], strides = [1, 1]} : vector<128x128xi32> to vector<1x128xi32>
    %broadcast_in_dim3A_1174 = vector.shape_cast %slice3A_1173 : vector<1x128xi32> to vector<1x128xi32>
    %broadcast_in_dim3A_1175 = vector.broadcast %broadcast_in_dim3A_1174 : vector<1x128xi32> to vector<32x128xi32>
    %and3A_1176 = arith.andi %broadcast_in_dim3A_1175, %shift_left3A_5 : vector<32x128xi32>
    %ne3A_1177 = arith.constant 0 : i32
    %ne3A_1178 = vector.broadcast %ne3A_1177 : i32 to vector<32x128xi32>
    %ne3A_1179 = arith.cmpi ne, %and3A_1176, %ne3A_1178 : vector<32x128xi32>
    %convert_element_type3A_1180 = arith.extui %ne3A_1179 : vector<32x128xi1> to vector<32x128xi32>
    %convert_element_type3A_1181 = arith.sitofp %convert_element_type3A_1180 : vector<32x128xi32> to vector<32x128xf32>
    %slice3A_1182 = vector.extract_strided_slice %bitcast_convert_type3A {offsets = [119, 0], sizes = [1, 128], strides = [1, 1]} : vector<128x128xi32> to vector<1x128xi32>
    %broadcast_in_dim3A_1183 = vector.shape_cast %slice3A_1182 : vector<1x128xi32> to vector<1x128xi32>
    %broadcast_in_dim3A_1184 = vector.broadcast %broadcast_in_dim3A_1183 : vector<1x128xi32> to vector<32x128xi32>
    %and3A_1185 = arith.andi %broadcast_in_dim3A_1184, %shift_left3A_5 : vector<32x128xi32>
    %ne3A_1186 = arith.constant 0 : i32
    %ne3A_1187 = vector.broadcast %ne3A_1186 : i32 to vector<32x128xi32>
    %ne3A_1188 = arith.cmpi ne, %and3A_1185, %ne3A_1187 : vector<32x128xi32>
    %convert_element_type3A_1189 = arith.extui %ne3A_1188 : vector<32x128xi1> to vector<32x128xi32>
    %convert_element_type3A_1190 = arith.sitofp %convert_element_type3A_1189 : vector<32x128xi32> to vector<32x128xf32>
    %concatenate3A_1191 = tpu.concatenate %convert_element_type3A_1127, %convert_element_type3A_1136, %convert_element_type3A_1145, %convert_element_type3A_1154, %convert_element_type3A_1163, %convert_element_type3A_1172, %convert_element_type3A_1181, %convert_element_type3A_1190 in 1 : vector<32x128xf32>, vector<32x128xf32>, vector<32x128xf32>, vector<32x128xf32>, vector<32x128xf32>, vector<32x128xf32>, vector<32x128xf32>, vector<32x128xf32> -> vector<32x1024xf32>
    %swap3A_1192 = arith.constant 0 : index
    %swap3A_1193 = arith.constant 14 : index
    %swap3A_1194 = arith.constant 0 : index
    %swap3A_1195 = arith.constant 0 : index
    %swap3A_1196 = vector.load %arg2[%swap3A_1192, %swap3A_1193, %swap3A_1194, %swap3A_1195] : memref<1x16x32x1024xf32, #tpu.memory_space<vmem>>, vector<1x1x32x1024xf32>
    %swap3A_1197 = vector.shape_cast %swap3A_1196 : vector<1x1x32x1024xf32> to vector<32x1024xf32>
    %swap3A_1198 = vector.shape_cast %concatenate3A_1191 : vector<32x1024xf32> to vector<1x1x32x1024xf32>
    tpu.vector_store %arg2[%swap3A_1192, %swap3A_1193, %swap3A_1194, %swap3A_1195], %swap3A_1198 {strides = array<i32>} : memref<1x16x32x1024xf32, #tpu.memory_space<vmem>>, vector<1x1x32x1024xf32>,
    %slice3A_1199 = vector.extract_strided_slice %bitcast_convert_type3A {offsets = [120, 0], sizes = [1, 128], strides = [1, 1]} : vector<128x128xi32> to vector<1x128xi32>
    %broadcast_in_dim3A_1200 = vector.shape_cast %slice3A_1199 : vector<1x128xi32> to vector<1x128xi32>
    %broadcast_in_dim3A_1201 = vector.broadcast %broadcast_in_dim3A_1200 : vector<1x128xi32> to vector<32x128xi32>
    %and3A_1202 = arith.andi %broadcast_in_dim3A_1201, %shift_left3A_5 : vector<32x128xi32>
    %ne3A_1203 = arith.constant 0 : i32
    %ne3A_1204 = vector.broadcast %ne3A_1203 : i32 to vector<32x128xi32>
    %ne3A_1205 = arith.cmpi ne, %and3A_1202, %ne3A_1204 : vector<32x128xi32>
    %convert_element_type3A_1206 = arith.extui %ne3A_1205 : vector<32x128xi1> to vector<32x128xi32>
    %convert_element_type3A_1207 = arith.sitofp %convert_element_type3A_1206 : vector<32x128xi32> to vector<32x128xf32>
    %slice3A_1208 = vector.extract_strided_slice %bitcast_convert_type3A {offsets = [121, 0], sizes = [1, 128], strides = [1, 1]} : vector<128x128xi32> to vector<1x128xi32>
    %broadcast_in_dim3A_1209 = vector.shape_cast %slice3A_1208 : vector<1x128xi32> to vector<1x128xi32>
    %broadcast_in_dim3A_1210 = vector.broadcast %broadcast_in_dim3A_1209 : vector<1x128xi32> to vector<32x128xi32>
    %and3A_1211 = arith.andi %broadcast_in_dim3A_1210, %shift_left3A_5 : vector<32x128xi32>
    %ne3A_1212 = arith.constant 0 : i32
    %ne3A_1213 = vector.broadcast %ne3A_1212 : i32 to vector<32x128xi32>
    %ne3A_1214 = arith.cmpi ne, %and3A_1211, %ne3A_1213 : vector<32x128xi32>
    %convert_element_type3A_1215 = arith.extui %ne3A_1214 : vector<32x128xi1> to vector<32x128xi32>
    %convert_element_type3A_1216 = arith.sitofp %convert_element_type3A_1215 : vector<32x128xi32> to vector<32x128xf32>
    %slice3A_1217 = vector.extract_strided_slice %bitcast_convert_type3A {offsets = [122, 0], sizes = [1, 128], strides = [1, 1]} : vector<128x128xi32> to vector<1x128xi32>
    %broadcast_in_dim3A_1218 = vector.shape_cast %slice3A_1217 : vector<1x128xi32> to vector<1x128xi32>
    %broadcast_in_dim3A_1219 = vector.broadcast %broadcast_in_dim3A_1218 : vector<1x128xi32> to vector<32x128xi32>
    %and3A_1220 = arith.andi %broadcast_in_dim3A_1219, %shift_left3A_5 : vector<32x128xi32>
    %ne3A_1221 = arith.constant 0 : i32
    %ne3A_1222 = vector.broadcast %ne3A_1221 : i32 to vector<32x128xi32>
    %ne3A_1223 = arith.cmpi ne, %and3A_1220, %ne3A_1222 : vector<32x128xi32>
    %convert_element_type3A_1224 = arith.extui %ne3A_1223 : vector<32x128xi1> to vector<32x128xi32>
    %convert_element_type3A_1225 = arith.sitofp %convert_element_type3A_1224 : vector<32x128xi32> to vector<32x128xf32>
    %slice3A_1226 = vector.extract_strided_slice %bitcast_convert_type3A {offsets = [123, 0], sizes = [1, 128], strides = [1, 1]} : vector<128x128xi32> to vector<1x128xi32>
    %broadcast_in_dim3A_1227 = vector.shape_cast %slice3A_1226 : vector<1x128xi32> to vector<1x128xi32>
    %broadcast_in_dim3A_1228 = vector.broadcast %broadcast_in_dim3A_1227 : vector<1x128xi32> to vector<32x128xi32>
    %and3A_1229 = arith.andi %broadcast_in_dim3A_1228, %shift_left3A_5 : vector<32x128xi32>
    %ne3A_1230 = arith.constant 0 : i32
    %ne3A_1231 = vector.broadcast %ne3A_1230 : i32 to vector<32x128xi32>
    %ne3A_1232 = arith.cmpi ne, %and3A_1229, %ne3A_1231 : vector<32x128xi32>
    %convert_element_type3A_1233 = arith.extui %ne3A_1232 : vector<32x128xi1> to vector<32x128xi32>
    %convert_element_type3A_1234 = arith.sitofp %convert_element_type3A_1233 : vector<32x128xi32> to vector<32x128xf32>
    %slice3A_1235 = vector.extract_strided_slice %bitcast_convert_type3A {offsets = [124, 0], sizes = [1, 128], strides = [1, 1]} : vector<128x128xi32> to vector<1x128xi32>
    %broadcast_in_dim3A_1236 = vector.shape_cast %slice3A_1235 : vector<1x128xi32> to vector<1x128xi32>
    %broadcast_in_dim3A_1237 = vector.broadcast %broadcast_in_dim3A_1236 : vector<1x128xi32> to vector<32x128xi32>
    %and3A_1238 = arith.andi %broadcast_in_dim3A_1237, %shift_left3A_5 : vector<32x128xi32>
    %ne3A_1239 = arith.constant 0 : i32
    %ne3A_1240 = vector.broadcast %ne3A_1239 : i32 to vector<32x128xi32>
    %ne3A_1241 = arith.cmpi ne, %and3A_1238, %ne3A_1240 : vector<32x128xi32>
    %convert_element_type3A_1242 = arith.extui %ne3A_1241 : vector<32x128xi1> to vector<32x128xi32>
    %convert_element_type3A_1243 = arith.sitofp %convert_element_type3A_1242 : vector<32x128xi32> to vector<32x128xf32>
    %slice3A_1244 = vector.extract_strided_slice %bitcast_convert_type3A {offsets = [125, 0], sizes = [1, 128], strides = [1, 1]} : vector<128x128xi32> to vector<1x128xi32>
    %broadcast_in_dim3A_1245 = vector.shape_cast %slice3A_1244 : vector<1x128xi32> to vector<1x128xi32>
    %broadcast_in_dim3A_1246 = vector.broadcast %broadcast_in_dim3A_1245 : vector<1x128xi32> to vector<32x128xi32>
    %and3A_1247 = arith.andi %broadcast_in_dim3A_1246, %shift_left3A_5 : vector<32x128xi32>
    %ne3A_1248 = arith.constant 0 : i32
    %ne3A_1249 = vector.broadcast %ne3A_1248 : i32 to vector<32x128xi32>
    %ne3A_1250 = arith.cmpi ne, %and3A_1247, %ne3A_1249 : vector<32x128xi32>
    %convert_element_type3A_1251 = arith.extui %ne3A_1250 : vector<32x128xi1> to vector<32x128xi32>
    %convert_element_type3A_1252 = arith.sitofp %convert_element_type3A_1251 : vector<32x128xi32> to vector<32x128xf32>
    %slice3A_1253 = vector.extract_strided_slice %bitcast_convert_type3A {offsets = [126, 0], sizes = [1, 128], strides = [1, 1]} : vector<128x128xi32> to vector<1x128xi32>
    %broadcast_in_dim3A_1254 = vector.shape_cast %slice3A_1253 : vector<1x128xi32> to vector<1x128xi32>
    %broadcast_in_dim3A_1255 = vector.broadcast %broadcast_in_dim3A_1254 : vector<1x128xi32> to vector<32x128xi32>
    %and3A_1256 = arith.andi %broadcast_in_dim3A_1255, %shift_left3A_5 : vector<32x128xi32>
    %ne3A_1257 = arith.constant 0 : i32
    %ne3A_1258 = vector.broadcast %ne3A_1257 : i32 to vector<32x128xi32>
    %ne3A_1259 = arith.cmpi ne, %and3A_1256, %ne3A_1258 : vector<32x128xi32>
    %convert_element_type3A_1260 = arith.extui %ne3A_1259 : vector<32x128xi1> to vector<32x128xi32>
    %convert_element_type3A_1261 = arith.sitofp %convert_element_type3A_1260 : vector<32x128xi32> to vector<32x128xf32>
    %slice3A_1262 = vector.extract_strided_slice %bitcast_convert_type3A {offsets = [127, 0], sizes = [1, 128], strides = [1, 1]} : vector<128x128xi32> to vector<1x128xi32>
    %broadcast_in_dim3A_1263 = vector.shape_cast %slice3A_1262 : vector<1x128xi32> to vector<1x128xi32>
    %broadcast_in_dim3A_1264 = vector.broadcast %broadcast_in_dim3A_1263 : vector<1x128xi32> to vector<32x128xi32>
    %and3A_1265 = arith.andi %broadcast_in_dim3A_1264, %shift_left3A_5 : vector<32x128xi32>
    %ne3A_1266 = arith.constant 0 : i32
    %ne3A_1267 = vector.broadcast %ne3A_1266 : i32 to vector<32x128xi32>
    %ne3A_1268 = arith.cmpi ne, %and3A_1265, %ne3A_1267 : vector<32x128xi32>
    %convert_element_type3A_1269 = arith.extui %ne3A_1268 : vector<32x128xi1> to vector<32x128xi32>
    %convert_element_type3A_1270 = arith.sitofp %convert_element_type3A_1269 : vector<32x128xi32> to vector<32x128xf32>
    %concatenate3A_1271 = tpu.concatenate %convert_element_type3A_1207, %convert_element_type3A_1216, %convert_element_type3A_1225, %convert_element_type3A_1234, %convert_element_type3A_1243, %convert_element_type3A_1252, %convert_element_type3A_1261, %convert_element_type3A_1270 in 1 : vector<32x128xf32>, vector<32x128xf32>, vector<32x128xf32>, vector<32x128xf32>, vector<32x128xf32>, vector<32x128xf32>, vector<32x128xf32>, vector<32x128xf32> -> vector<32x1024xf32>
    %swap3A_1272 = arith.constant 0 : index
    %swap3A_1273 = arith.constant 15 : index
    %swap3A_1274 = arith.constant 0 : index
    %swap3A_1275 = arith.constant 0 : index
    %swap3A_1276 = vector.load %arg2[%swap3A_1272, %swap3A_1273, %swap3A_1274, %swap3A_1275] : memref<1x16x32x1024xf32, #tpu.memory_space<vmem>>, vector<1x1x32x1024xf32>
    %swap3A_1277 = vector.shape_cast %swap3A_1276 : vector<1x1x32x1024xf32> to vector<32x1024xf32>
    %swap3A_1278 = vector.shape_cast %concatenate3A_1271 : vector<32x1024xf32> to vector<1x1x32x1024xf32>
    tpu.vector_store %arg2[%swap3A_1272, %swap3A_1273, %swap3A_1274, %swap3A_1275], %swap3A_1278 {strides = array<i32>} : memref<1x16x32x1024xf32, #tpu.memory_space<vmem>>, vector<1x1x32x1024xf32>,
    return
  }
  func.func @transform_0(%arg0: i32) -> (i32, i32) {
    %c0_i32 = arith.constant 0 : i32
    %c0_i32_0 = arith.constant 0 : i32
    return %arg0, %c0_i32 : i32, i32
  }
  func.func @transform_1(%arg0: i32) -> (i32, i32, i32, i32) {
    %c0_i32 = arith.constant 0 : i32
    %c0_i32_0 = arith.constant 0 : i32
    %c0_i32_1 = arith.constant 0 : i32
    %c0_i32_2 = arith.constant 0 : i32
    return %arg0, %c0_i32, %c0_i32_0, %c0_i32_1 : i32, i32, i32, i32
  }
}

</mosaic_0001>

<sc_bundles>
// kernel: kernel.4.cloned.1.call-start
scs
__scs_entry_jumppad:
0x0: {  	(pc) =	sbr.rel $0x88, $3  }
0x1: {  	(tag) =	ssettag $0x0;
	lr =	simm.s32 $0x1  }
0x2: {  	[smem:$0x3F9F] =	sst lr;
	_ =	strace $0xD0000000  }
0x3: {  	_ = 	snop  }
0x4: {  	_ = 	snop  }
0x5: {  	_ = 	snop  }
0x6: {  	_ = 	snop  }
0x7: {  	_ = 	snop  }
__scs_overlays_trampoline_lowered:
0x8: {  	[smem:$0x3FAE] =	sst s0  }
0x9: {  	[smem:$0x3FAF] =	sst s1  }
0xa: {  	[smem:$0x3FB0] =	sst s2  }
0xb: {  	[smem:$0x3FB1] =	sst s3  }
0xc: {  	[smem:$0x3FB2] =	sst s4  }
0xd: {  	[smem:$0x3FB3] =	sst s5  }
0xe: {  	[smem:$0x3FB4] =	sst s6  }
0xf: {  	[smem:$0x3FB5] =	sst s7  }
0x10: {  	[smem:$0x3FB6] =	sst s8  }
0x11: {  	[smem:$0x3FB7] =	sst s9;
	s0 =	simm.s32 @!p0 $0x0  }
0x12: {  	s1 =	sld [smem:$0x3F9D];
	s0 =	simm.s32 @p0 $0x1  }
0x13: {  	[smem:$0x3FB8] =	sst s0;
	s0 =	simm.s32 @!p1 $0x0  }
0x14: {  	s2 =	sld [smem:$0x3F9C];
	s0 =	simm.s32 @p1 $0x1  }
0x15: {  	[smem:$0x3FB9] =	sst s0;
	s0 =	simm.s32 @!p2 $0x0  }
0x16: {  	s3 =	sld [smem:$0x3FDB];
	s0 =	simm.s32 @p2 $0x1  }
0x17: {  	s4 =	simm.s32 $0x1BF5;
	[smem:$0x3FBB] =	sst s0  }
0x18: {  	s0 =	sld [smem:$0x3F9E];
	_ =	swait.ge [sflag:s4], $0x0  }
0x19: {  	s7 =	sld [smem:$0x3F9F]  }
0x1a: {  	s8 =	sadd.s32 $0xFFFFE003, lr  }
0x1b: {  	s9 =	sadd.s32 $0xFFFFFEF7, lr;
	s5 =	simm.s32 $0xFFFFFFFF;
	p2 =	slt.u32 s8, $0xFFFFF086  }
0x1c: {  	p1 =	slt.u32 s9, $0xF7A;
	s5 =	simm.s32 @!p2 $0x0  }
0x1d: {  	s5 =	simm.s32 @p1 $0x1;
	p0 =	seq.s32 s7, s2  }
0x1e: {  	s7 =	smul.u32 @!p0 $0xF7A, s2;
	p2 =	seq.s32 @!p0 s5, $0x0  }
0x1f: {  	s9 =	smul.u32 $0xF7A, s1;
	s8 =	simm.s32 @!p0 $0x1BF5;
	p2 =	por !p2, p0  }
0x20: {  	[sflag:s8] =	ssyncset.s32 @!p0 $0xFFFFF086;
	s6 =	sadd.s32 @!p0 s3, s7;
	s7 =	simm.s32 @!p0 $0x108  }
0x21: {  	s3 =	sadd.s32 s3, s9;
	s6 =	sadd.s32 @!p0 $0x88, s6;
	s7 =	simm.s32 @p2 $0x1082  }
0x22: {  	[simem:s7], [sflag:s8] =	dma.local @!p0 [hbm:s6], $0xF7A  }
0x23: {  	s9 =	sor.u32 $0xD0000000, s2;
	s6 =	simm.s32 $0x108;
	_ =	swait.ge @!p0 [sflag:s8], $0x0  }
0x24: {  	s3 =	sadd.s32 $0x88, s3;
	s6 =	simm.s32 @!p1 $0x1082;
	[sflag:s4] =	ssyncset.s32 $0xFFFFF086  }
0x25: {  	[simem:s6], [sflag:s4] =	dma.local [hbm:s3], $0xF7A  }
0x26: {  	[smem:$0x3F9F] =	sst s1;
	(tag) =	ssettag s2;
	_ =	strace s9  }
0x27: {  	s1 =	sld [smem:$0x3FAF]  }
0x28: {  	s2 =	sld [smem:$0x3FB0]  }
0x29: {  	s4 =	sld [smem:$0x3FB2]  }
0x2a: {  	p0 =	seq.s32 s5, $0x0;
	s5 =	sld [smem:$0x3FB3]  }
0x2b: {  	s6 =	sld [smem:$0x3FB4]  }
0x2c: {  	s7 =	sld [smem:$0x3FB5]  }
0x2d: {  	s3 =	simm.s32 $0x108;
	s8 =	sld [smem:$0x3FB6]  }
0x2e: {  	s3 =	simm.s32 @!p0 $0x1082;
	s9 =	sld [smem:$0x3FB7]  }
0x2f: {  	lr =	sadd.s32 s0, s3;
	s0 =	sld [smem:$0x3FAE]  }
0x30: {  	s3 =	sld [smem:$0x3FB1]  }
0x31: {  	[smem:$0x3FBA] =	sst s10  }
0x32: {  	s10 =	sld [smem:$0x3FB8];
	_ =	sdelay $0x3  }
0x33: {  	p0 =	seq.s32 s10, $0x1;
	s10 =	sld [smem:$0x3FBA];
	_ =	sdelay $0x3  }
0x34: {  	[smem:$0x3FBA] =	sst s10  }
0x35: {  	s10 =	sld [smem:$0x3FB9];
	_ =	sdelay $0x3  }
0x36: {  	p1 =	seq.s32 s10, $0x1;
	s10 =	sld [smem:$0x3FBA];
	_ =	sdelay $0x3  }
0x37: {  	[smem:$0x3FBA] =	sst s10  }
0x38: {  	s10 =	sld [smem:$0x3FBB]  }
0x39: {  	_ = 	snop;
	(pc) =	sbr.ind lr, $3  }
0x3a: {  	_ = 	snop  }
0x3b: {  	_ = 	snop  }
0x3c: {  	p2 =	seq.s32 s10, $0x1;
	s10 =	sld [smem:$0x3FBA]  }
0x3d: {  	_ =	shalt  }
0x3e: {  	_ =	shalt  }
0x3f: {  	_ =	shalt  }
0x40: {  	_ =	shalt  }
0x41: {  	_ =	shalt  }
0x42: {  	_ =	shalt  }
0x43: {  	_ =	shalt  }
0x44: {  	_ =	shalt  }
0x45: {  	_ =	shalt  }
0x46: {  	_ =	shalt  }
0x47: {  	_ =	shalt  }
0x48: {  	_ =	shalt  }
0x49: {  	_ =	shalt  }
0x4a: {  	_ =	shalt  }
0x4b: {  	_ =	shalt  }
0x4c: {  	_ =	shalt  }
0x4d: {  	_ =	shalt  }
0x4e: {  	_ =	shalt  }
0x4f: {  	_ =	shalt  }
0x50: {  	_ =	shalt  }
0x51: {  	_ =	shalt  }
0x52: {  	_ =	shalt  }
0x53: {  	_ =	shalt  }
0x54: {  	_ =	shalt  }
0x55: {  	_ =	shalt  }
0x56: {  	_ =	shalt  }
0x57: {  	_ =	shalt  }
0x58: {  	_ =	shalt  }
0x59: {  	_ =	shalt  }
0x5a: {  	_ =	shalt  }
0x5b: {  	_ =	shalt  }
0x5c: {  	_ =	shalt  }
0x5d: {  	_ =	shalt  }
0x5e: {  	_ =	shalt  }
0x5f: {  	_ =	shalt  }
0x60: {  	_ =	shalt  }
0x61: {  	_ =	shalt  }
0x62: {  	_ =	shalt  }
0x63: {  	_ =	shalt  }
0x64: {  	_ =	shalt  }
0x65: {  	_ =	shalt  }
0x66: {  	_ =	shalt  }
0x67: {  	_ =	shalt  }
0x68: {  	_ =	shalt  }
0x69: {  	_ =	shalt  }
0x6a: {  	_ =	shalt  }
0x6b: {  	_ =	shalt  }
0x6c: {  	_ =	shalt  }
0x6d: {  	_ =	shalt  }
0x6e: {  	_ =	shalt  }
0x6f: {  	_ =	shalt  }
0x70: {  	_ =	shalt  }
0x71: {  	_ =	shalt  }
0x72: {  	_ =	shalt  }
0x73: {  	_ =	shalt  }
0x74: {  	_ =	shalt  }
0x75: {  	_ =	shalt  }
0x76: {  	_ =	shalt  }
0x77: {  	_ =	shalt  }
0x78: {  	_ =	shalt  }
0x79: {  	_ =	shalt  }
0x7a: {  	_ =	shalt  }
0x7b: {  	_ =	shalt  }
0x7c: {  	_ =	shalt  }
0x7d: {  	_ =	shalt  }
0x7e: {  	_ =	shalt  }
0x7f: {  	_ =	shalt  }
0x80: {  	_ =	shalt  }
0x81: {  	_ =	shalt  }
0x82: {  	_ =	shalt  }
0x83: {  	_ =	shalt  }
0x84: {  	_ =	shalt  }
0x85: {  	_ =	shalt  }
0x86: {  	_ =	shalt  }
0x87: {  	_ =	shalt  }
.Lfunc_end0:
.L_simem_size_0:
called_computation_lowered:
.L_overlay_start_0:
0x88: {  	s2 =	sld [smem:$0x3FD9]  }
0x89: {  	s3 =	sld [smem:$0x3FFE];
	_ =	sdelay $0x1  }
0x8a: {  	s1 =	srdreg.scid  }
0x8b: {  	s0 =	sand.u32 $0x1, s1  }
0x8c: {  	s17 =	sshll.u32 s0, $0xA;
	s2 =	sadd.s32 s3, s2  }
0x8d: {  	s2 =	sadd.s32 s2, s17  }
0x8e: {  	[smem:$0x3FC6] =	sst s2  }
0x8f: {  	_ = 	snop  }
0x90: {  	s2 =	sld [smem:$0x3FC8]  }
0x91: {  	s18 =	sld [smem:$0x3FD0];
	(tm) =	ssettm $0x1  }
0x92: {  	s4 =	sld [smem:$0x3FFB];
	_ =	sdelay $0x3  }
0x93: {  	_ =	strace s4  }
0x94: {  	s4 =	sld [smem:$0x3FFC];
	_ =	sdelay $0x3  }
0x95: {  	_ =	strace s4  }
0x96: {  	s4 =	sld [smem:$0x3FFD];
	_ =	sdelay $0x3  }
0x97: {  	_ =	strace s4  }
0x98: {  	_ =	strace $0x8FFFFFFF  }
0x99: {  	s19 =	sld [smem:$0x3FDB];
	_ =	sdelay $0x1  }
0x9a: {  	s5 =	simm.s32 $_scs_section_size  }
0x9b: {  	s6 =	simm.s32 $_size__tile_overlayer_lowered;
	s7 =	simm.s32 $_tile_overlayer_lowered  }
0x9c: {  	s22 =	simm.s32 $0x1BFF;
	s21 =	sshll.u32 s7, $0x1;
	s4 =	sadd.s32 s5, s19  }
0x9d: {  	s8 =	simm.s32 $0x0;
	s20 =	sshll.u32 s6, $0x1;
	s6 =	sadd.s32 s21, s4  }
0x9e: {  	[timem:s8], [sflag:s22] =	dma.local [hbm:s6], s20  }
0x9f: {  	_ =	swait.ge [sflag:s22], s20  }
0xa0: {  	s5 =	ssub.s32 $0x0, s20;
	[sflag:s22] =	ssyncset.done $0x0  }
0xa1: {  	[sflag:s22] =	ssyncadd.s32 s5;
	_ =	sdelay $0x1  }
0xa2: {  	s23 =	simm.s32 $0x1B8B  }
0xa3: {  	_ =	swait.ge [sflag:s23], $0x1  }
0xa4: {  	[sflag:s23] =	ssyncset.done $0x0  }
0xa5: {  	s25 =	simm.s32 $0x1B8E;
	s24 =	sld [smem:$0x3FFE];
	[sflag:s23] =	ssyncadd.s32 $0xFFFFFFFF  }
0xa6: {  	s26 =	simm.s32 $execute0_lowered;
	[smem:$0x3FD2] =	sst s25  }
0xa7: {  	s6 =	sshll.u32 s26, $0x1;
	_ =	strace $0x80000046;
	[dreg:$0x1] =	wrdreg $0xFFFFFFFF  }
0xa8: {  	s28 =	simm.s32 $_size_execute0_lowered;
	s4 =	sadd.s32 s4, s6;
	[dreg:$0x0] =	wrdreg $0x0  }
0xa9: {  	s6 =	sshll.u32 s28, $0x1;
	[dreg:$0x2] =	wrdreg s4  }
0xaa: {  	[dreg:$0x3] =	wrdreg s6  }
0xab: {  	[dreg:$0x4] =	wrdreg $0xC0  }
0xac: {  	_ =	task [dreg:s8], $0x5FFFF  }
0xad: {  	[dreg:$0x1] =	wrdreg $0xFFFFFFFF  }
0xae: {  	[dreg:$0x0] =	wrdreg $0x60  }
0xaf: {  	[dreg:$0x2] =	wrdreg s2  }
0xb0: {  	[dreg:$0x3] =	wrdreg s24  }
0xb1: {  	[dreg:$0x4] =	wrdreg s18  }
0xb2: {  	[dreg:$0x5] =	wrdreg $0x9  }
0xb3: {  	_ =	task.clear_ibuf [dreg:s8], $0x6FFFF;
	_ =	strace $0x90000046  }
0xb4: {  	s29 =	simm.s32 $0x9;
	_ =	strace $0x80000048  }
0xb5: {  	_ =	swait.ge [sflag:s29], $0x1  }
0xb6: {  	[sflag:s29] =	ssyncadd.s32 $0xFFFFFFFF  }
0xb7: {  	_ =	strace $0x90000048  }
0xb8: {  	_ =	sfence  }
0xb9: {  	s30 =	sld [smem:$0x0];
	_ =	sdelay $0x2  }
0xba: {  	s31 =	sshll.u32 s1, $0xD;
	s1 =	sshrl.u32 s1, $0x2  }
0xbb: {  	s3 =	sand.u32 $0x4000, s31;
	s1 =	sadd.s32 s1, s30  }
0xbc: {  	s0 =	sor.u32 s3, s0;
	s1 =	sshll.u32 s1, $0x11  }
0xbd: {  	s0 =	sor.u32 s1, s0  }
0xbe: {  	s0 =	sadd.s32 $0x8F2B, s0  }
0xbf: {  	[sflag:s0] =	ssyncadd.remote.s32 $0x1  }
0xc0: {  	_ =	sfence.sel $0xFFFF  }
0xc1: {  	[dreg:$0x0] =	wrdreg $0xFFFFFFFF;
	(pc) =	sbr.abs _section_cstart, $3  }
0xc2: {  	[dreg:$0x1] =	wrdreg $0xFFFFFFFF  }
0xc3: {  	_ =	task.clear_ibuf [dreg:s8], $0x2FFFF;
	_ =	strace $0x9FFFFFFF  }
0xc4: {  	(tm) =	ssettm $0x7FFFFFFF  }
0xc5: {  	_ =	shalt  }
tec
execute0_lowered:
.L_overlay_start_1:
0x0: {  	(tag) =	ssettag $0x1  }
0x1: {  	s3 =	rddreg [dreg:$0x0]  }
0x2: {  	s4 =	rddreg [dreg:$0x1]  }
0x3: {  	s0 =	stileid.u32;
	s6 =	rddreg [dreg:$0x2]  }
0x4: {  	s2 =	srdreg.scid;
	s1 =	rddreg [dreg:$0x3]  }
0x5: {  	s12 =	simm.s32 $0x2;
	s13 =	simm.s32 $0x0;
	s5 =	sshll.u32 s0, $0x1  }
0x6: {  	s7 =	sand.u32 $0x1, s2;
	s2 =	simm.s32 $0x0;
	s9 =	sshrl.u32 s0, $0x3  }
0x7: {  	s5 =	sand.u32 $0xE, s5;
	[smem:$0x7FF] =	sst s2;
	s10 =	smul.u32 $0xC80, s9  }
0x8: {  	s8 =	sor.u32 s7, s5;
	s5 =	sshrl.u32 s5, $0x3;
	_ =	strace $0x80000047  }
0x9: {  	s7 =	ssub.s32 $0x2, s7;
	s5 =	smul.u32 $0xC3800, s5;
	s8 =	sshll.u32 s8, $0x7  }
0xa: {  	s4 =	sadd.s32 s10, s4;
	s31 =	sshrl.u32 s7, $0x1;
	s10 =	simm.s32 $0x18700  }
0xb: {  	s11 =	sand.u32 $0x380, s8;
	s7 =	ssub.s32 s7, s31;
	s4 =	sadd.s32 $0x600, s4  }
0xc: {  	s6 =	sadd.s32 s6, s8;
	s8 =	simm.s32 $0x80;
	s5 =	sor.u32 s5, s11  }
0xd: {  	s7 =	smax.u32 s7, $0x1;
	s11 =	simm.s32 $0x1;
	s5 =	sshrl.u32 s5, $0x3  }
0xe: {  	s3 =	sadd.s32 s3, s5;
	s5 =	smul.u32 $0x19, s9;
	s9 =	simm.s32 $0x400  }
.LBB2_1:
0xf: {  	[tilespmem:s2], [sflag:$0x1] =	stream.strided.gather [hbm4b:s3+s8], $0x18700, s9, s8, $0x38;
	[tilespmem:$0x1F300] =	vst v63  }
0x10: {  	_ = 	snop  }
0x11: {  	[tilespmem:s10], [sflag:$0x1] =	stream.linear.gather [hbm4b:s4+s2], $0x6400, $0x38;
	[tilespmem:$0x1F300] =	vst v63  }
0x12: {  	_ =	swait.ge [sflag:s11], $0x18700  }
0x13: {  	[sflag:s11] =	ssyncset.done $0x0  }
0x14: {  	[sflag:s11] =	ssyncadd.s32 $0xFFFE7900  }
0x15: {  	_ =	swait.ge [sflag:s11], $0x6400  }
0x16: {  	s14 =	simm.s32 $0x18740;
	[sflag:s11] =	ssyncset.done $0x0  }
0x17: {  	p0 =	por $0x0, $0x0;
	s15 =	simm.s32 $0x0;
	[sflag:s11] =	ssyncadd.s32 $0xFFFF9C00  }
.LBB2_2:
0x18: {  	s16 =	simm.s32 $0x1;
	p1 =	slt.u32 s15, $0x2;
	s31 =	sshll.u32 s15, $0x7  }
0x19: {  	s18 =	sadd.s32 s5, s15;
	s16 =	simm.s32 @!p0 $0x0;
	s19 =	simm.s32 @!p1 $0x2  }
0x1a: {  	s20 =	simm.s32 $0xFFFFFFF8;
	s16 =	sshll.u32 s16, $0x7;
	_ =	swait.ge @!p1 [sflag:s19], $0x400  }
0x1b: {  	s17 =	sor.u32 $0x1EB40, s16;
	[sflag:s19] =	ssyncset.done @!p1 $0x0;
	s16 =	sand.u32 $0x80, s31  }
0x1c: {  	s21 =	smov.u32 s14;
	[sflag:s19] =	ssyncadd.s32 @!p1 $0xFFFFFC00;
	s19 =	sor.u32 $0x1EB00, s16  }
.LBB2_3:
0x1d: {  	v0 =	vld [tilespmem:s21+$0xFFFFFFC0];
	_ =	sdelay $0x7  }
0x1e: {  	v0 =	vld.idx.msk [tilespmem:v0+s2+$0x0], $0xffff;
	_ =	sdelay $0x4  }
0x1f: {  	[tilespmem:s17+$0xFFFFFFC0] =	vst v0  }
0x20: {  	v0 =	vld [tilespmem:s21+$0xFFFFFFD0];
	_ =	sdelay $0x7  }
0x21: {  	v0 =	vld.idx.msk [tilespmem:v0+s2+$0x0], $0xffff;
	_ =	sdelay $0x4  }
0x22: {  	[tilespmem:s17+$0xFFFFFFD0] =	vst v0  }
0x23: {  	v0 =	vld [tilespmem:s21+$0xFFFFFFE0];
	_ =	sdelay $0x7  }
0x24: {  	v0 =	vld.idx.msk [tilespmem:v0+s2+$0x0], $0xffff;
	_ =	sdelay $0x4  }
0x25: {  	[tilespmem:s17+$0xFFFFFFE0] =	vst v0  }
0x26: {  	v0 =	vld [tilespmem:s21+$0xFFFFFFF0];
	_ =	sdelay $0x7  }
0x27: {  	v0 =	vld.idx.msk [tilespmem:v0+s2+$0x0], $0xffff;
	_ =	sdelay $0x4  }
0x28: {  	[tilespmem:s17+$0xFFFFFFF0] =	vst v0  }
0x29: {  	v0 =	vld [tilespmem:s21+$0x0];
	_ =	sdelay $0x7  }
0x2a: {  	v0 =	vld.idx.msk [tilespmem:v0+s2+$0x0], $0xffff;
	_ =	sdelay $0x4  }
0x2b: {  	[tilespmem:s17+$0x0] =	vst v0  }
0x2c: {  	v0 =	vld [tilespmem:s21+$0x10];
	_ =	sdelay $0x7  }
0x2d: {  	v0 =	vld.idx.msk [tilespmem:v0+s2+$0x0], $0xffff;
	_ =	sdelay $0x4  }
0x2e: {  	[tilespmem:s17+$0x10] =	vst v0  }
0x2f: {  	v0 =	vld [tilespmem:s21+$0x20];
	_ =	sdelay $0x7  }
0x30: {  	v0 =	vld.idx.msk [tilespmem:v0+s2+$0x0], $0xffff;
	_ =	sdelay $0x4  }
0x31: {  	[tilespmem:s17+$0x20] =	vst v0  }
0x32: {  	v0 =	vld [tilespmem:s21+$0x30];
	_ =	sdelay $0x6  }
0x33: {  	s20 =	sadd.s32 $0x8, s20  }
0x34: {  	p1 =	slt.u32 s20, $0x38;
	v0 =	vld.idx.msk [tilespmem:v0+s2+$0x0], $0xffff  }
.Ltmp0:
0x35: {  	_ = 	snop;
	(pc) =	sbr.rel @p1 .LBB2_3-.Ltmp0, $2  }
0x36: {  	_ =	sdelay $0x2  }
0x37: {  	s21 =	sadd.s32 $0x80, s21;
	[tilespmem:s17+$0x30] =	vst v0;
	s17 =	sadd.s32 $0x100, s17  }
0x38: {  	s17 =	sshll.u32 s18, $0xB  }
0x39: {  	s17 =	sadd.s32 s17, s6  }
0x3a: {  	[hbm4b:s17+s2] =	stream.linear.scatter [tilespmem:s19], [sflag:$0x2], $0x80, $0x38;
	[tilespmem:$0x1F300] =	vst v63  }
0x3b: {  	s30 =	sor.u32 $0x1EC00, s16;
	s31 =	sadd.s32 $0x10, s17  }
0x3c: {  	[hbm4b:s31+s2] =	stream.linear.scatter [tilespmem:s30], [sflag:$0x2], $0x80, $0x38;
	[tilespmem:$0x1F300] =	vst v63  }
0x3d: {  	s20 =	sor.u32 $0x1ED00, s16;
	s21 =	sadd.s32 $0x20, s17  }
0x3e: {  	[hbm4b:s21+s2] =	stream.linear.scatter [tilespmem:s20], [sflag:$0x2], $0x80, $0x38;
	[tilespmem:$0x1F300] =	vst v63  }
0x3f: {  	s22 =	sor.u32 $0x1EE00, s16;
	s23 =	sadd.s32 $0x30, s17  }
0x40: {  	[hbm4b:s23+s2] =	stream.linear.scatter [tilespmem:s22], [sflag:$0x2], $0x80, $0x38;
	[tilespmem:$0x1F300] =	vst v63  }
0x41: {  	s24 =	sor.u32 $0x1EF00, s16;
	s15 =	sadd.s32 $0x1, s15;
	s25 =	sadd.s32 $0x40, s17  }
0x42: {  	[hbm4b:s25+s2] =	stream.linear.scatter [tilespmem:s24], [sflag:$0x2], $0x80, $0x38;
	[tilespmem:$0x1F300] =	vst v63  }
0x43: {  	s26 =	sor.u32 $0x1F000, s16;
	p1 =	sne.s32 s15, $0x19;
	s28 =	sadd.s32 $0x50, s17  }
0x44: {  	[hbm4b:s28+s2] =	stream.linear.scatter [tilespmem:s26], [sflag:$0x2], $0x80, $0x38;
	[tilespmem:$0x1F300] =	vst v63  }
.Ltmp1:
0x45: {  	_ = 	snop;
	(pc) =	sbr.rel @p1 .LBB2_2-.Ltmp1, $4  }
0x46: {  	s29 =	sor.u32 $0x1F100, s16;
	s14 =	sadd.s32 $0x400, s14;
	s30 =	sadd.s32 $0x60, s17  }
0x47: {  	[hbm4b:s30+s2] =	stream.linear.scatter [tilespmem:s29], [sflag:$0x2], $0x80, $0x38;
	[tilespmem:$0x1F300] =	vst v63  }
0x48: {  	p0 =	por !p0, !p0;
	s31 =	sor.u32 $0x1F200, s16;
	s17 =	sadd.s32 $0x70, s17  }
0x49: {  	[hbm4b:s17+s2] =	stream.linear.scatter [tilespmem:s31], [sflag:$0x2], $0x80, $0x38;
	[tilespmem:$0x1F300] =	vst v63  }
0x4a: {  	s13 =	sadd.s32 $0x1, s13  }
0x4b: {  	_ =	swait.ge [sflag:s12], $0x400;
	p0 =	sne.s32 s13, s7  }
.Ltmp2:
0x4c: {  	[sflag:s12] =	ssyncset.done $0x0;
	(pc) =	sbr.rel @p0 .LBB2_1-.Ltmp2, $4  }
0x4d: {  	[sflag:s12] =	ssyncadd.s32 $0xFFFFFC00  }
0x4e: {  	_ =	swait.ge [sflag:s12], $0x400  }
0x4f: {  	[sflag:s12] =	ssyncset.done $0x0  }
0x50: {  	[sflag:s12] =	ssyncadd.s32 $0xFFFFFC00  }
0x51: {  	_ =	sfence.sel $0x180000  }
0x52: {  	[bflag:$0x0] =	sbarrier.arrive $0xFFFF  }
0x53: {  	p0 =	sne.s32 s0, $0x0;
	_ =	strace $0x90000047  }
0x54: {  	s0 =	sadd.s32 @!p0 $0x100000, s1;
	[bflag:$0x2] =	sbarrier.arrive $0xFFFF  }
0x55: {  	[sflag:s0] =	ssyncadd.tile.s32 @!p0 $0x1;
	_ =	shalt  }
.Lfunc_end2:
_tile_overlayer_lowered:
.L_overlay_start_2:
0x56: {  	(tag) =	ssettag $0x2  }
0x57: {  	s0 =	rddreg [dreg:$0x0];
	s2 =	stileid.u32  }
0x58: {  	s1 =	rddreg [dreg:$0x1];
	p0 =	sne.s32 s2, $0x0  }
0x59: {  	s3 =	rddreg [dreg:$0x2];
	[bflag:$0x3] =	sbarrier.arrive $0xFFFF;
	s2 =	simm.s32 @!p0 $0x1C03  }
0x5a: {  	[timem:s3], [sflag:s2] =	dma.local @!p0 [hbm:s0], s1  }
0x5b: {  	s0 =	simm.s32 @!p0 $0x3  }
0x5c: {  	_ =	swait.ge @!p0 [sflag:s0], s1  }
0x5d: {  	s1 =	ssub.s32 @!p0 $0x0, s1;
	[sflag:s0] =	ssyncset.done @!p0 $0x0  }
0x5e: {  	[sflag:s0] =	ssyncadd.s32 @!p0 s1  }
0x5f: {  	[bflag:$0x3] =	sbarrier.arrive $0xFFFF  }
0x60: {  	_ =	shalt  }

</sc_bundles>
